<compile_context>
chip_gen: v7x
topology: tpu7x:2x2x1
jax: 0.10.2.dev20260603
libtpu: 0.0.44.dev20260713+nightly
codegen_flags: <defaults>
</compile_context>

<pallas_src>
import functools

import jax
import jax.numpy as jnp
from jax import lax
from jax.experimental import pallas as pl
from jax.experimental.pallas import tpu as pltpu
from jax.experimental.pallas import tpu_sc as plsc

_N = 9216
_K = 8192
_D = 64
_MB = 1152
_GRID = _N // _MB
_KT = 2048
_NKT = _K // _KT
_CC = 0.25


def _vq_body(zt_ref, emb_ref, idx_ref, msum_ref):
    zb = zt_ref[...]
    z2 = jnp.sum(zb * zb, axis=1, keepdims=True).T
    zbf = zb.astype(jnp.bfloat16)
    fiota = lax.broadcasted_iota(jnp.int32, (_KT, _MB), 0).astype(jnp.float32)

    bvb = bvf = ba = None
    for kt in range(_NKT):
        e = emb_ref[kt * _KT:(kt + 1) * _KT, :]
        e2 = jnp.sum(e * e, axis=1, keepdims=True)
        ab = lax.dot_general(e.astype(jnp.bfloat16), zbf,
                             (((1,), (1,)), ((), ())),
                             preferred_element_type=jnp.float32)
        d = (z2 - 2.0 * ab) + e2
        lv = jnp.min(d, axis=0, keepdims=True)
        la = jnp.min(jnp.where(d == lv, fiota, jnp.float32(2 ** 30)),
                     axis=0, keepdims=True) + float(kt * _KT)
        if kt == 0:
            bvb, bvf, ba = lv.astype(jnp.bfloat16), lv, la
        else:
            upd = lv < bvb.astype(jnp.float32)
            ba = jnp.where(upd, la, ba)
            bvf = jnp.where(upd, lv, bvf)
            bvb = jnp.where(upd, lv.astype(jnp.bfloat16), bvb)

    idx_ref[0] = ba.astype(jnp.int32)
    msum_ref[0] = jnp.sum(bvf, axis=1, keepdims=True)


def _vq_argmin(zt, embedding):
    return pl.pallas_call(
        _vq_body,
        grid=(_GRID,),
        in_specs=[
            pl.BlockSpec((_MB, _D), lambda i: (i, 0)),
            pl.BlockSpec((_K, _D), lambda i: (0, 0)),
        ],
        out_specs=[
            pl.BlockSpec((1, 1, _MB), lambda i: (i, 0, 0)),
            pl.BlockSpec((1, 1, 1), lambda i: (i, 0, 0)),
        ],
        out_shape=[
            jax.ShapeDtypeStruct((_GRID, 1, _MB), jnp.int32),
            jax.ShapeDtypeStruct((_GRID, 1, 1), jnp.float32),
        ],
        compiler_params=pltpu.CompilerParams(
            dimension_semantics=("parallel",)),
    )(zt, embedding)


_CH = 3
_CW = 96
_G = 16


def _sc_gather_hist(embedding, idx_flat, zeros_g, ones_g):
    info = plsc.get_sparse_core_info()
    nc, ns = info.num_cores, info.num_subcores
    nw = nc * ns
    bpw = _N // nw
    kps = _K // ns
    idx3 = idx_flat.reshape(nw, _CH, _CW)
    mesh = plsc.VectorSubcoreMesh(core_axis_name="c", subcore_axis_name="s")

    @functools.partial(
        pl.kernel, mesh=mesh,
        compiler_params=pltpu.CompilerParams(use_tc_tiling_on_sc=False),
        out_type=[
            jax.ShapeDtypeStruct((_N, _D), jnp.float32),
            jax.ShapeDtypeStruct((nc, _K, _G), jnp.float32),
        ],
        scratch_types=[
            pltpu.VMEM((_CH, _CW), jnp.int32),
            pltpu.VMEM((bpw, _D), jnp.float32),
            pltpu.VMEM((_CW, _G), jnp.float32),
            pltpu.VMEM_SHARED((_K, _G), jnp.float32),
            pltpu.SemaphoreType.DMA,
        ],
    )
    def gk(table_hbm, idx_hbm, zeros_hbm, ones_hbm, out_hbm, counts_hbm,
           idx_v, rows_v, ones_v, shared, sem):
        cid = lax.axis_index("c")
        sid = lax.axis_index("s")
        wid = sid * nc + cid
        base = wid * bpw
        pltpu.sync_copy(idx_hbm.at[wid], idx_v)
        pltpu.sync_copy(ones_hbm, ones_v)
        pltpu.sync_copy(zeros_hbm.at[pl.ds(sid * kps, kps)],
                        shared.at[pl.ds(sid * kps, kps)])
        cps = [
            pltpu.async_copy(table_hbm.at[idx_v.at[j]],
                             rows_v.at[pl.ds(j * _CW, _CW)], sem)
            for j in range(_CH)
        ]
        for c in cps:
            c.wait()
        pltpu.sync_copy(rows_v, out_hbm.at[pl.ds(base, bpw)])
        plsc.subcore_barrier()
        for j in range(_CH):
            pltpu.sync_copy(ones_v, shared.at[idx_v.at[j]], add=True)
        plsc.subcore_barrier()
        pltpu.sync_copy(shared.at[pl.ds(sid * kps, kps)],
                        counts_hbm.at[cid, pl.ds(sid * kps, kps)])

    return gk(embedding, idx3, zeros_g, ones_g)


def _fin_body(counts_ref, msums_ref, vq_ref, perp_ref):
    c = counts_ref[0, :, 0:1] + counts_ref[1, :, 0:1]
    p = c / float(_N)
    ent = jnp.sum(p * jnp.log(p + 1e-10), axis=0, keepdims=True)
    perp_ref[...] = jnp.exp(-ent)
    vq_ref[...] = jnp.full((1, 1), (1.0 + _CC) / float(_N * _D),
                           jnp.float32) * jnp.sum(msums_ref[:, 0, :], axis=0,
                                                  keepdims=True)


def _finalize(counts, msums):
    return pl.pallas_call(
        _fin_body,
        in_specs=[
            pl.BlockSpec((2, _K, _G), lambda: (0, 0, 0)),
            pl.BlockSpec((_GRID, 1, 1), lambda: (0, 0, 0)),
        ],
        out_specs=[
            pl.BlockSpec((1, 1), lambda: (0, 0)),
            pl.BlockSpec((1, 1), lambda: (0, 0)),
        ],
        out_shape=[
            jax.ShapeDtypeStruct((1, 1), jnp.float32),
            jax.ShapeDtypeStruct((1, 1), jnp.float32),
        ],
    )(counts, msums)


def kernel(z, embedding):
    zf = z.reshape(-1, _D)
    idx3, msums = _vq_argmin(zf, embedding)
    idx_flat = idx3.reshape(-1)
    zeros_g = jnp.zeros((_K, _G), jnp.float32)
    ones_g = jnp.ones((_CW, _G), jnp.float32)
    quant, counts = _sc_gather_hist(embedding, idx_flat, zeros_g, ones_g)
    quant = quant.astype(jnp.bfloat16).astype(jnp.float32)
    vq, perp = _finalize(counts, msums)
    return (quant.reshape(z.shape), vq.reshape(()), perp.reshape(()),
            idx_flat.reshape(z.shape[0], z.shape[1]))

# --- scband reference (transcript-rebuilt; emitter-appended) ---
"""Pipeline reference for scband-vector-quantizer-ema-7533372637763 (READ-ONLY COPY).

The authoritative reference and input builder live on the scoring server;
editing this copy changes nothing except your own understanding.
"""

import jax, jax.numpy as jnp
import numpy as np

NUM_EMBEDDINGS = 8192
EMBEDDING_DIM = 64
COMMITMENT_COST = 0.25


def setup_inputs(seed: int = 0) -> dict:
    key = jax.random.key(seed)
    k1, k2 = jax.random.split(key)
    z = jax.random.normal(k1, (16, 576, EMBEDDING_DIM), dtype=jnp.float32)
    embedding = jax.random.normal(k2, (NUM_EMBEDDINGS, EMBEDDING_DIM), dtype=jnp.float32)
    return {"z": z, "embedding": embedding}


def reference(z, embedding):
    K, D = embedding.shape
    z_flat = z.reshape(-1, D)
    distances = (jnp.sum(z_flat ** 2, axis=1, keepdims=True)
                 - 2.0 * jnp.matmul(z_flat, embedding.T)
                 + jnp.sum(embedding ** 2, axis=1))
    encoding_indices = jnp.argmin(distances, axis=1)
    encodings = jax.nn.one_hot(encoding_indices, K, dtype=z.dtype)
    quantized = jnp.matmul(encodings, embedding).reshape(z.shape)
    codebook_loss = jnp.mean((jax.lax.stop_gradient(quantized) - z) ** 2)
    commitment_loss = COMMITMENT_COST * jnp.mean((quantized - jax.lax.stop_gradient(z)) ** 2)
    vq_loss = commitment_loss + codebook_loss
    quantized_st = z + jax.lax.stop_gradient(quantized - z)
    avg_probs = jnp.mean(encodings, axis=0)
    perplexity = jnp.exp(-jnp.sum(avg_probs * jnp.log(avg_probs + 1e-10)))
    return (quantized_st, vq_loss, perplexity,
            encoding_indices.reshape(z.shape[0], z.shape[1]))

if __name__ == "__main__":
    import jax
    _d = setup_inputs()
    print(jax.jit(kernel)(*tuple(_d.values())))

</pallas_src>

<mosaic_0001>
#map = affine_map<(d0, d1) -> (0, 0)>
#map1 = affine_map<(d0, d1) -> (0, 0, 0)>
module attributes {stable_mosaic.version = 14 : i64} {
  func.func @gk(%arg0: i32, %arg1: i32, %arg2: memref<8192x64xf32, #tpu.memory_space<hbm>>, %arg3: memref<32x3x96xi32, #tpu.memory_space<hbm>>, %arg4: memref<8192x16xf32, #tpu.memory_space<hbm>>, %arg5: memref<96x16xf32, #tpu.memory_space<hbm>>, %arg6: memref<9216x64xf32, #tpu.memory_space<hbm>>, %arg7: memref<2x8192x16xf32, #tpu.memory_space<hbm>>, %arg8: memref<3x96xi32, #tpu.memory_space<vmem>>, %arg9: memref<288x64xf32, #tpu.memory_space<vmem>>, %arg10: memref<96x16xf32, #tpu.memory_space<vmem>>, %arg11: memref<8192x16xf32, #tpu.memory_space<vmem_shared>>, %arg12: memref<!tpu.dma_semaphore, #tpu.memory_space<semaphore_mem>>) attributes {dimension_semantics = [#tpu.dimension_semantics<core_parallel>, #tpu.dimension_semantics<subcore_parallel>], iteration_bounds = array<i64: 2, 16>, scalar_prefetch = 0 : i64, scratch_operands = 5 : i64, tpu.core_type = #tpu.core_type<sc_vector_subcore>, window_params = [{transform_indices = #map}, {transform_indices = #map1}, {transform_indices = #map}, {transform_indices = #map}, {transform_indices = #map}, {transform_indices = #map1}]} {
    %mul3A = arith.constant 2 : i32
    %mul3A_0 = arith.muli %arg1, %mul3A : i32
    %add3A = arith.addi %mul3A_0, %arg0 : i32
    %mul3A_1 = arith.constant 288 : i32
    %mul3A_2 = arith.muli %add3A, %mul3A_1 : i32
    "tpu.region"() ({
      %run_scoped3A_72 = tpu.sem_alloc : memref<!tpu.dma_semaphore, #tpu.memory_space<semaphore_mem>>
      %dma_start3A_73 = arith.constant 0 : i32
      %dma_start3A_74 = arith.constant 0 : i32
      %dma_start3A_75 = tpu.memref_slice %arg3[%add3A, %dma_start3A_73, %dma_start3A_74] : memref<32x3x96xi32, #tpu.memory_space<hbm>> -> memref<1x3x96xi32, #tpu.memory_space<hbm>>
      %dma_start3A_76 = tpu.memref_squeeze %dma_start3A_75 : memref<1x3x96xi32, #tpu.memory_space<hbm>> -> memref<3x96xi32, #tpu.memory_space<hbm>>
      %dma_start3A_77 = arith.constant 0 : i32
      %dma_start3A_78 = arith.constant 0 : i32
      %dma_start3A_79 = tpu.memref_slice %arg3[%add3A, %dma_start3A_77, %dma_start3A_78] : memref<32x3x96xi32, #tpu.memory_space<hbm>> -> memref<1x3x96xi32, #tpu.memory_space<hbm>>
      %dma_start3A_80 = tpu.memref_squeeze %dma_start3A_79 : memref<1x3x96xi32, #tpu.memory_space<hbm>> -> memref<3x96xi32, #tpu.memory_space<hbm>>
      tpu.enqueue_dma source(%dma_start3A_80 : memref<3x96xi32, #tpu.memory_space<hbm>>) target(%arg8 : memref<3x96xi32, #tpu.memory_space<vmem>>) target_semaphore(%run_scoped3A_72 : memref<!tpu.dma_semaphore, #tpu.memory_space<semaphore_mem>>)
      %dma_wait3A_81 = arith.constant 0 : i32
      %dma_wait3A_82 = arith.constant 0 : i32
      %dma_wait3A_83 = tpu.memref_slice %arg3[%add3A, %dma_wait3A_81, %dma_wait3A_82] : memref<32x3x96xi32, #tpu.memory_space<hbm>> -> memref<1x3x96xi32, #tpu.memory_space<hbm>>
      %dma_wait3A_84 = tpu.memref_squeeze %dma_wait3A_83 : memref<1x3x96xi32, #tpu.memory_space<hbm>> -> memref<3x96xi32, #tpu.memory_space<hbm>>
      %dma_wait3A_85 = arith.constant 0 : i32
      %dma_wait3A_86 = arith.constant 0 : i32
      %dma_wait3A_87 = tpu.memref_slice %arg3[%add3A, %dma_wait3A_85, %dma_wait3A_86] : memref<32x3x96xi32, #tpu.memory_space<hbm>> -> memref<1x3x96xi32, #tpu.memory_space<hbm>>
      %dma_wait3A_88 = tpu.memref_squeeze %dma_wait3A_87 : memref<1x3x96xi32, #tpu.memory_space<hbm>> -> memref<3x96xi32, #tpu.memory_space<hbm>>
      tpu.wait_dma2 semaphore(%run_scoped3A_72 : memref<!tpu.dma_semaphore, #tpu.memory_space<semaphore_mem>>) src(%dma_wait3A_88 : memref<3x96xi32, #tpu.memory_space<hbm>>) dst(%arg8 : memref<3x96xi32, #tpu.memory_space<vmem>>)
      tpu.yield
    }) : () -> ()
    "tpu.region"() ({
      %run_scoped3A_72 = tpu.sem_alloc : memref<!tpu.dma_semaphore, #tpu.memory_space<semaphore_mem>>
      tpu.enqueue_dma source(%arg5 : memref<96x16xf32, #tpu.memory_space<hbm>>) target(%arg10 : memref<96x16xf32, #tpu.memory_space<vmem>>) target_semaphore(%run_scoped3A_72 : memref<!tpu.dma_semaphore, #tpu.memory_space<semaphore_mem>>)
      tpu.wait_dma2 semaphore(%run_scoped3A_72 : memref<!tpu.dma_semaphore, #tpu.memory_space<semaphore_mem>>) src(%arg5 : memref<96x16xf32, #tpu.memory_space<hbm>>) dst(%arg10 : memref<96x16xf32, #tpu.memory_space<vmem>>)
      tpu.yield
    }) : () -> ()
    %mul3A_3 = arith.constant 512 : i32
    %mul3A_4 = arith.muli %arg1, %mul3A_3 : i32
    %mul3A_5 = arith.constant 512 : i32
    %mul3A_6 = arith.muli %arg1, %mul3A_5 : i32
    "tpu.region"() ({
      %run_scoped3A_72 = tpu.sem_alloc : memref<!tpu.dma_semaphore, #tpu.memory_space<semaphore_mem>>
      %dma_start3A_73 = arith.constant 0 : i32
      %dma_start3A_74 = tpu.memref_slice %arg11[%mul3A_6, %dma_start3A_73] : memref<8192x16xf32, #tpu.memory_space<vmem_shared>> -> memref<512x16xf32, #tpu.memory_space<vmem_shared>>
      %dma_start3A_75 = arith.constant 0 : i32
      %dma_start3A_76 = tpu.memref_slice %arg4[%mul3A_4, %dma_start3A_75] : memref<8192x16xf32, #tpu.memory_space<hbm>> -> memref<512x16xf32, #tpu.memory_space<hbm>>
      tpu.enqueue_dma source(%dma_start3A_76 : memref<512x16xf32, #tpu.memory_space<hbm>>) target(%dma_start3A_74 : memref<512x16xf32, #tpu.memory_space<vmem_shared>>) target_semaphore(%run_scoped3A_72 : memref<!tpu.dma_semaphore, #tpu.memory_space<semaphore_mem>>)
      %dma_wait3A_77 = arith.constant 0 : i32
      %dma_wait3A_78 = tpu.memref_slice %arg11[%mul3A_6, %dma_wait3A_77] : memref<8192x16xf32, #tpu.memory_space<vmem_shared>> -> memref<512x16xf32, #tpu.memory_space<vmem_shared>>
      %dma_wait3A_79 = arith.constant 0 : i32
      %dma_wait3A_80 = tpu.memref_slice %arg4[%mul3A_4, %dma_wait3A_79] : memref<8192x16xf32, #tpu.memory_space<hbm>> -> memref<512x16xf32, #tpu.memory_space<hbm>>
      tpu.wait_dma2 semaphore(%run_scoped3A_72 : memref<!tpu.dma_semaphore, #tpu.memory_space<semaphore_mem>>) src(%dma_wait3A_80 : memref<512x16xf32, #tpu.memory_space<hbm>>) dst(%dma_wait3A_78 : memref<512x16xf32, #tpu.memory_space<vmem_shared>>)
      tpu.yield
    }) : () -> ()
    %dma_start3A = arith.constant 0 : i32
    %dma_start3A_7 = arith.constant 0 : i32
    %dma_start3A_8 = arith.constant 0 : i32
    %dma_start3A_9 = tpu.memref_slice %arg9[%dma_start3A_7, %dma_start3A_8] : memref<288x64xf32, #tpu.memory_space<vmem>> -> memref<96x64xf32, #tpu.memory_space<vmem>>
    %dma_start3A_10 = arith.constant 0 : i32
    %dma_start3A_11 = tpu.memref_slice %arg8[%dma_start3A, %dma_start3A_10] : memref<3x96xi32, #tpu.memory_space<vmem>> -> memref<1x96xi32, #tpu.memory_space<vmem>>
    %dma_start3A_12 = tpu.memref_squeeze %dma_start3A_11 : memref<1x96xi32, #tpu.memory_space<vmem>> -> memref<96xi32, #tpu.memory_space<vmem>>
    %dma_start3A_13 = arith.constant 0 : i32
    %dma_start3A_14 = arith.constant 0 : i32
    %dma_start3A_15 = tpu.memref_slice %arg2[%dma_start3A_13, %dma_start3A_14] : memref<8192x64xf32, #tpu.memory_space<hbm>> -> memref<8192x64xf32, #tpu.memory_space<hbm>>
    tpu.enqueue_indirect_dma source(%dma_start3A_15 : memref<8192x64xf32, #tpu.memory_space<hbm>>) target(%dma_start3A_9 : memref<96x64xf32, #tpu.memory_space<vmem>>) offsets(%dma_start3A_12 : memref<96xi32, #tpu.memory_space<vmem>>) semaphore(%arg12 : memref<!tpu.dma_semaphore, #tpu.memory_space<semaphore_mem>>)
    %dma_start3A_16 = arith.constant 1 : i32
    %dma_start3A_17 = arith.constant 96 : i32
    %dma_start3A_18 = arith.constant 0 : i32
    %dma_start3A_19 = tpu.memref_slice %arg9[%dma_start3A_17, %dma_start3A_18] : memref<288x64xf32, #tpu.memory_space<vmem>> -> memref<96x64xf32, #tpu.memory_space<vmem>>
    %dma_start3A_20 = arith.constant 0 : i32
    %dma_start3A_21 = tpu.memref_slice %arg8[%dma_start3A_16, %dma_start3A_20] : memref<3x96xi32, #tpu.memory_space<vmem>> -> memref<1x96xi32, #tpu.memory_space<vmem>>
    %dma_start3A_22 = tpu.memref_squeeze %dma_start3A_21 : memref<1x96xi32, #tpu.memory_space<vmem>> -> memref<96xi32, #tpu.memory_space<vmem>>
    %dma_start3A_23 = arith.constant 0 : i32
    %dma_start3A_24 = arith.constant 0 : i32
    %dma_start3A_25 = tpu.memref_slice %arg2[%dma_start3A_23, %dma_start3A_24] : memref<8192x64xf32, #tpu.memory_space<hbm>> -> memref<8192x64xf32, #tpu.memory_space<hbm>>
    tpu.enqueue_indirect_dma source(%dma_start3A_25 : memref<8192x64xf32, #tpu.memory_space<hbm>>) target(%dma_start3A_19 : memref<96x64xf32, #tpu.memory_space<vmem>>) offsets(%dma_start3A_22 : memref<96xi32, #tpu.memory_space<vmem>>) semaphore(%arg12 : memref<!tpu.dma_semaphore, #tpu.memory_space<semaphore_mem>>)
    %dma_start3A_26 = arith.constant 2 : i32
    %dma_start3A_27 = arith.constant 192 : i32
    %dma_start3A_28 = arith.constant 0 : i32
    %dma_start3A_29 = tpu.memref_slice %arg9[%dma_start3A_27, %dma_start3A_28] : memref<288x64xf32, #tpu.memory_space<vmem>> -> memref<96x64xf32, #tpu.memory_space<vmem>>
    %dma_start3A_30 = arith.constant 0 : i32
    %dma_start3A_31 = tpu.memref_slice %arg8[%dma_start3A_26, %dma_start3A_30] : memref<3x96xi32, #tpu.memory_space<vmem>> -> memref<1x96xi32, #tpu.memory_space<vmem>>
    %dma_start3A_32 = tpu.memref_squeeze %dma_start3A_31 : memref<1x96xi32, #tpu.memory_space<vmem>> -> memref<96xi32, #tpu.memory_space<vmem>>
    %dma_start3A_33 = arith.constant 0 : i32
    %dma_start3A_34 = arith.constant 0 : i32
    %dma_start3A_35 = tpu.memref_slice %arg2[%dma_start3A_33, %dma_start3A_34] : memref<8192x64xf32, #tpu.memory_space<hbm>> -> memref<8192x64xf32, #tpu.memory_space<hbm>>
    tpu.enqueue_indirect_dma source(%dma_start3A_35 : memref<8192x64xf32, #tpu.memory_space<hbm>>) target(%dma_start3A_29 : memref<96x64xf32, #tpu.memory_space<vmem>>) offsets(%dma_start3A_32 : memref<96xi32, #tpu.memory_space<vmem>>) semaphore(%arg12 : memref<!tpu.dma_semaphore, #tpu.memory_space<semaphore_mem>>)
    %dma_wait3A = arith.constant 0 : i32
    %dma_wait3A_36 = arith.constant 0 : i32
    %dma_wait3A_37 = arith.constant 0 : i32
    %dma_wait3A_38 = tpu.memref_slice %arg9[%dma_wait3A_36, %dma_wait3A_37] : memref<288x64xf32, #tpu.memory_space<vmem>> -> memref<96x64xf32, #tpu.memory_space<vmem>>
    %dma_wait3A_39 = arith.constant 0 : i32
    %dma_wait3A_40 = tpu.memref_slice %arg8[%dma_wait3A, %dma_wait3A_39] : memref<3x96xi32, #tpu.memory_space<vmem>> -> memref<1x96xi32, #tpu.memory_space<vmem>>
    %dma_wait3A_41 = tpu.memref_squeeze %dma_wait3A_40 : memref<1x96xi32, #tpu.memory_space<vmem>> -> memref<96xi32, #tpu.memory_space<vmem>>
    %dma_wait3A_42 = arith.constant 0 : i32
    %dma_wait3A_43 = arith.constant 0 : i32
    %dma_wait3A_44 = tpu.memref_slice %arg2[%dma_wait3A_42, %dma_wait3A_43] : memref<8192x64xf32, #tpu.memory_space<hbm>> -> memref<8192x64xf32, #tpu.memory_space<hbm>>
    tpu.wait_indirect_dma semaphore(%arg12 : memref<!tpu.dma_semaphore, #tpu.memory_space<semaphore_mem>>) src(%dma_wait3A_44 : memref<8192x64xf32, #tpu.memory_space<hbm>>) dst(%dma_wait3A_38 : memref<96x64xf32, #tpu.memory_space<vmem>>)
    %dma_wait3A_45 = arith.constant 1 : i32
    %dma_wait3A_46 = arith.constant 96 : i32
    %dma_wait3A_47 = arith.constant 0 : i32
    %dma_wait3A_48 = tpu.memref_slice %arg9[%dma_wait3A_46, %dma_wait3A_47] : memref<288x64xf32, #tpu.memory_space<vmem>> -> memref<96x64xf32, #tpu.memory_space<vmem>>
    %dma_wait3A_49 = arith.constant 0 : i32
    %dma_wait3A_50 = tpu.memref_slice %arg8[%dma_wait3A_45, %dma_wait3A_49] : memref<3x96xi32, #tpu.memory_space<vmem>> -> memref<1x96xi32, #tpu.memory_space<vmem>>
    %dma_wait3A_51 = tpu.memref_squeeze %dma_wait3A_50 : memref<1x96xi32, #tpu.memory_space<vmem>> -> memref<96xi32, #tpu.memory_space<vmem>>
    %dma_wait3A_52 = arith.constant 0 : i32
    %dma_wait3A_53 = arith.constant 0 : i32
    %dma_wait3A_54 = tpu.memref_slice %arg2[%dma_wait3A_52, %dma_wait3A_53] : memref<8192x64xf32, #tpu.memory_space<hbm>> -> memref<8192x64xf32, #tpu.memory_space<hbm>>
    tpu.wait_indirect_dma semaphore(%arg12 : memref<!tpu.dma_semaphore, #tpu.memory_space<semaphore_mem>>) src(%dma_wait3A_54 : memref<8192x64xf32, #tpu.memory_space<hbm>>) dst(%dma_wait3A_48 : memref<96x64xf32, #tpu.memory_space<vmem>>)
    %dma_wait3A_55 = arith.constant 2 : i32
    %dma_wait3A_56 = arith.constant 192 : i32
    %dma_wait3A_57 = arith.constant 0 : i32
    %dma_wait3A_58 = tpu.memref_slice %arg9[%dma_wait3A_56, %dma_wait3A_57] : memref<288x64xf32, #tpu.memory_space<vmem>> -> memref<96x64xf32, #tpu.memory_space<vmem>>
    %dma_wait3A_59 = arith.constant 0 : i32
    %dma_wait3A_60 = tpu.memref_slice %arg8[%dma_wait3A_55, %dma_wait3A_59] : memref<3x96xi32, #tpu.memory_space<vmem>> -> memref<1x96xi32, #tpu.memory_space<vmem>>
    %dma_wait3A_61 = tpu.memref_squeeze %dma_wait3A_60 : memref<1x96xi32, #tpu.memory_space<vmem>> -> memref<96xi32, #tpu.memory_space<vmem>>
    %dma_wait3A_62 = arith.constant 0 : i32
    %dma_wait3A_63 = arith.constant 0 : i32
    %dma_wait3A_64 = tpu.memref_slice %arg2[%dma_wait3A_62, %dma_wait3A_63] : memref<8192x64xf32, #tpu.memory_space<hbm>> -> memref<8192x64xf32, #tpu.memory_space<hbm>>
    tpu.wait_indirect_dma semaphore(%arg12 : memref<!tpu.dma_semaphore, #tpu.memory_space<semaphore_mem>>) src(%dma_wait3A_64 : memref<8192x64xf32, #tpu.memory_space<hbm>>) dst(%dma_wait3A_58 : memref<96x64xf32, #tpu.memory_space<vmem>>)
    "tpu.region"() ({
      %run_scoped3A_72 = tpu.sem_alloc : memref<!tpu.dma_semaphore, #tpu.memory_space<semaphore_mem>>
      %dma_start3A_73 = arith.constant 0 : i32
      %dma_start3A_74 = tpu.memref_slice %arg6[%mul3A_2, %dma_start3A_73] : memref<9216x64xf32, #tpu.memory_space<hbm>> -> memref<288x64xf32, #tpu.memory_space<hbm>>
      %dma_start3A_75 = arith.constant 0 : i32
      %dma_start3A_76 = tpu.memref_slice %arg6[%mul3A_2, %dma_start3A_75] : memref<9216x64xf32, #tpu.memory_space<hbm>> -> memref<288x64xf32, #tpu.memory_space<hbm>>
      tpu.enqueue_dma source(%arg9 : memref<288x64xf32, #tpu.memory_space<vmem>>) target(%dma_start3A_76 : memref<288x64xf32, #tpu.memory_space<hbm>>) target_semaphore(%run_scoped3A_72 : memref<!tpu.dma_semaphore, #tpu.memory_space<semaphore_mem>>)
      %dma_wait3A_77 = arith.constant 0 : i32
      %dma_wait3A_78 = tpu.memref_slice %arg6[%mul3A_2, %dma_wait3A_77] : memref<9216x64xf32, #tpu.memory_space<hbm>> -> memref<288x64xf32, #tpu.memory_space<hbm>>
      %dma_wait3A_79 = arith.constant 0 : i32
      %dma_wait3A_80 = tpu.memref_slice %arg6[%mul3A_2, %dma_wait3A_79] : memref<9216x64xf32, #tpu.memory_space<hbm>> -> memref<288x64xf32, #tpu.memory_space<hbm>>
      tpu.wait_dma2 semaphore(%run_scoped3A_72 : memref<!tpu.dma_semaphore, #tpu.memory_space<semaphore_mem>>) src(%arg9 : memref<288x64xf32, #tpu.memory_space<vmem>>) dst(%dma_wait3A_80 : memref<288x64xf32, #tpu.memory_space<hbm>>)
      tpu.yield
    }) : () -> ()
    %barrier3A = arith.constant 0 : index
    tpu.barrier barrier_id(%barrier3A)
    %run_scoped3A = arith.constant 0 : i32
    "tpu.region"() ({
      %run_scoped3A_72 = tpu.sem_alloc : memref<!tpu.dma_semaphore, #tpu.memory_space<semaphore_mem>>
      %dma_start3A_73 = arith.constant 0 : i32
      %dma_start3A_74 = tpu.memref_slice %arg8[%run_scoped3A, %dma_start3A_73] : memref<3x96xi32, #tpu.memory_space<vmem>> -> memref<1x96xi32, #tpu.memory_space<vmem>>
      %dma_start3A_75 = tpu.memref_squeeze %dma_start3A_74 : memref<1x96xi32, #tpu.memory_space<vmem>> -> memref<96xi32, #tpu.memory_space<vmem>>
      %dma_start3A_76 = arith.constant 0 : i32
      %dma_start3A_77 = arith.constant 0 : i32
      %dma_start3A_78 = tpu.memref_slice %arg11[%dma_start3A_76, %dma_start3A_77] : memref<8192x16xf32, #tpu.memory_space<vmem_shared>> -> memref<8192x16xf32, #tpu.memory_space<vmem_shared>>
      tpu.enqueue_indirect_dma source(%arg10 : memref<96x16xf32, #tpu.memory_space<vmem>>) target(%dma_start3A_78 : memref<8192x16xf32, #tpu.memory_space<vmem_shared>>) offsets(%dma_start3A_75 : memref<96xi32, #tpu.memory_space<vmem>>) semaphore(%run_scoped3A_72 : memref<!tpu.dma_semaphore, #tpu.memory_space<semaphore_mem>>) {add = true}
      %dma_wait3A_79 = arith.constant 0 : i32
      %dma_wait3A_80 = tpu.memref_slice %arg8[%run_scoped3A, %dma_wait3A_79] : memref<3x96xi32, #tpu.memory_space<vmem>> -> memref<1x96xi32, #tpu.memory_space<vmem>>
      %dma_wait3A_81 = tpu.memref_squeeze %dma_wait3A_80 : memref<1x96xi32, #tpu.memory_space<vmem>> -> memref<96xi32, #tpu.memory_space<vmem>>
      %dma_wait3A_82 = arith.constant 0 : i32
      %dma_wait3A_83 = arith.constant 0 : i32
      %dma_wait3A_84 = tpu.memref_slice %arg11[%dma_wait3A_82, %dma_wait3A_83] : memref<8192x16xf32, #tpu.memory_space<vmem_shared>> -> memref<8192x16xf32, #tpu.memory_space<vmem_shared>>
      tpu.wait_indirect_dma semaphore(%run_scoped3A_72 : memref<!tpu.dma_semaphore, #tpu.memory_space<semaphore_mem>>) src(%arg10 : memref<96x16xf32, #tpu.memory_space<vmem>>) dst(%dma_wait3A_84 : memref<8192x16xf32, #tpu.memory_space<vmem_shared>>)
      tpu.yield
    }) : () -> ()
    %run_scoped3A_65 = arith.constant 1 : i32
    "tpu.region"() ({
      %run_scoped3A_72 = tpu.sem_alloc : memref<!tpu.dma_semaphore, #tpu.memory_space<semaphore_mem>>
      %dma_start3A_73 = arith.constant 0 : i32
      %dma_start3A_74 = tpu.memref_slice %arg8[%run_scoped3A_65, %dma_start3A_73] : memref<3x96xi32, #tpu.memory_space<vmem>> -> memref<1x96xi32, #tpu.memory_space<vmem>>
      %dma_start3A_75 = tpu.memref_squeeze %dma_start3A_74 : memref<1x96xi32, #tpu.memory_space<vmem>> -> memref<96xi32, #tpu.memory_space<vmem>>
      %dma_start3A_76 = arith.constant 0 : i32
      %dma_start3A_77 = arith.constant 0 : i32
      %dma_start3A_78 = tpu.memref_slice %arg11[%dma_start3A_76, %dma_start3A_77] : memref<8192x16xf32, #tpu.memory_space<vmem_shared>> -> memref<8192x16xf32, #tpu.memory_space<vmem_shared>>
      tpu.enqueue_indirect_dma source(%arg10 : memref<96x16xf32, #tpu.memory_space<vmem>>) target(%dma_start3A_78 : memref<8192x16xf32, #tpu.memory_space<vmem_shared>>) offsets(%dma_start3A_75 : memref<96xi32, #tpu.memory_space<vmem>>) semaphore(%run_scoped3A_72 : memref<!tpu.dma_semaphore, #tpu.memory_space<semaphore_mem>>) {add = true}
      %dma_wait3A_79 = arith.constant 0 : i32
      %dma_wait3A_80 = tpu.memref_slice %arg8[%run_scoped3A_65, %dma_wait3A_79] : memref<3x96xi32, #tpu.memory_space<vmem>> -> memref<1x96xi32, #tpu.memory_space<vmem>>
      %dma_wait3A_81 = tpu.memref_squeeze %dma_wait3A_80 : memref<1x96xi32, #tpu.memory_space<vmem>> -> memref<96xi32, #tpu.memory_space<vmem>>
      %dma_wait3A_82 = arith.constant 0 : i32
      %dma_wait3A_83 = arith.constant 0 : i32
      %dma_wait3A_84 = tpu.memref_slice %arg11[%dma_wait3A_82, %dma_wait3A_83] : memref<8192x16xf32, #tpu.memory_space<vmem_shared>> -> memref<8192x16xf32, #tpu.memory_space<vmem_shared>>
      tpu.wait_indirect_dma semaphore(%run_scoped3A_72 : memref<!tpu.dma_semaphore, #tpu.memory_space<semaphore_mem>>) src(%arg10 : memref<96x16xf32, #tpu.memory_space<vmem>>) dst(%dma_wait3A_84 : memref<8192x16xf32, #tpu.memory_space<vmem_shared>>)
      tpu.yield
    }) : () -> ()
    %run_scoped3A_66 = arith.constant 2 : i32
    "tpu.region"() ({
      %run_scoped3A_72 = tpu.sem_alloc : memref<!tpu.dma_semaphore, #tpu.memory_space<semaphore_mem>>
      %dma_start3A_73 = arith.constant 0 : i32
      %dma_start3A_74 = tpu.memref_slice %arg8[%run_scoped3A_66, %dma_start3A_73] : memref<3x96xi32, #tpu.memory_space<vmem>> -> memref<1x96xi32, #tpu.memory_space<vmem>>
      %dma_start3A_75 = tpu.memref_squeeze %dma_start3A_74 : memref<1x96xi32, #tpu.memory_space<vmem>> -> memref<96xi32, #tpu.memory_space<vmem>>
      %dma_start3A_76 = arith.constant 0 : i32
      %dma_start3A_77 = arith.constant 0 : i32
      %dma_start3A_78 = tpu.memref_slice %arg11[%dma_start3A_76, %dma_start3A_77] : memref<8192x16xf32, #tpu.memory_space<vmem_shared>> -> memref<8192x16xf32, #tpu.memory_space<vmem_shared>>
      tpu.enqueue_indirect_dma source(%arg10 : memref<96x16xf32, #tpu.memory_space<vmem>>) target(%dma_start3A_78 : memref<8192x16xf32, #tpu.memory_space<vmem_shared>>) offsets(%dma_start3A_75 : memref<96xi32, #tpu.memory_space<vmem>>) semaphore(%run_scoped3A_72 : memref<!tpu.dma_semaphore, #tpu.memory_space<semaphore_mem>>) {add = true}
      %dma_wait3A_79 = arith.constant 0 : i32
      %dma_wait3A_80 = tpu.memref_slice %arg8[%run_scoped3A_66, %dma_wait3A_79] : memref<3x96xi32, #tpu.memory_space<vmem>> -> memref<1x96xi32, #tpu.memory_space<vmem>>
      %dma_wait3A_81 = tpu.memref_squeeze %dma_wait3A_80 : memref<1x96xi32, #tpu.memory_space<vmem>> -> memref<96xi32, #tpu.memory_space<vmem>>
      %dma_wait3A_82 = arith.constant 0 : i32
      %dma_wait3A_83 = arith.constant 0 : i32
      %dma_wait3A_84 = tpu.memref_slice %arg11[%dma_wait3A_82, %dma_wait3A_83] : memref<8192x16xf32, #tpu.memory_space<vmem_shared>> -> memref<8192x16xf32, #tpu.memory_space<vmem_shared>>
      tpu.wait_indirect_dma semaphore(%run_scoped3A_72 : memref<!tpu.dma_semaphore, #tpu.memory_space<semaphore_mem>>) src(%arg10 : memref<96x16xf32, #tpu.memory_space<vmem>>) dst(%dma_wait3A_84 : memref<8192x16xf32, #tpu.memory_space<vmem_shared>>)
      tpu.yield
    }) : () -> ()
    %barrier3A_67 = arith.constant 0 : index
    tpu.barrier barrier_id(%barrier3A_67)
    %mul3A_68 = arith.constant 512 : i32
    %mul3A_69 = arith.muli %arg1, %mul3A_68 : i32
    %mul3A_70 = arith.constant 512 : i32
    %mul3A_71 = arith.muli %arg1, %mul3A_70 : i32
    "tpu.region"() ({
      %run_scoped3A_72 = tpu.sem_alloc : memref<!tpu.dma_semaphore, #tpu.memory_space<semaphore_mem>>
      %dma_start3A_73 = arith.constant 0 : i32
      %dma_start3A_74 = tpu.memref_slice %arg7[%arg0, %mul3A_71, %dma_start3A_73] : memref<2x8192x16xf32, #tpu.memory_space<hbm>> -> memref<1x512x16xf32, #tpu.memory_space<hbm>>
      %dma_start3A_75 = tpu.memref_squeeze %dma_start3A_74 : memref<1x512x16xf32, #tpu.memory_space<hbm>> -> memref<512x16xf32, #tpu.memory_space<hbm>>
      %dma_start3A_76 = arith.constant 0 : i32
      %dma_start3A_77 = tpu.memref_slice %arg11[%mul3A_69, %dma_start3A_76] : memref<8192x16xf32, #tpu.memory_space<vmem_shared>> -> memref<512x16xf32, #tpu.memory_space<vmem_shared>>
      tpu.enqueue_dma source(%dma_start3A_77 : memref<512x16xf32, #tpu.memory_space<vmem_shared>>) target(%dma_start3A_75 : memref<512x16xf32, #tpu.memory_space<hbm>>) target_semaphore(%run_scoped3A_72 : memref<!tpu.dma_semaphore, #tpu.memory_space<semaphore_mem>>)
      %dma_wait3A_78 = arith.constant 0 : i32
      %dma_wait3A_79 = tpu.memref_slice %arg7[%arg0, %mul3A_71, %dma_wait3A_78] : memref<2x8192x16xf32, #tpu.memory_space<hbm>> -> memref<1x512x16xf32, #tpu.memory_space<hbm>>
      %dma_wait3A_80 = tpu.memref_squeeze %dma_wait3A_79 : memref<1x512x16xf32, #tpu.memory_space<hbm>> -> memref<512x16xf32, #tpu.memory_space<hbm>>
      %dma_wait3A_81 = arith.constant 0 : i32
      %dma_wait3A_82 = tpu.memref_slice %arg11[%mul3A_69, %dma_wait3A_81] : memref<8192x16xf32, #tpu.memory_space<vmem_shared>> -> memref<512x16xf32, #tpu.memory_space<vmem_shared>>
      tpu.wait_dma2 semaphore(%run_scoped3A_72 : memref<!tpu.dma_semaphore, #tpu.memory_space<semaphore_mem>>) src(%dma_wait3A_82 : memref<512x16xf32, #tpu.memory_space<vmem_shared>>) dst(%dma_wait3A_80 : memref<512x16xf32, #tpu.memory_space<hbm>>)
      tpu.yield
    }) : () -> ()
    return
  }
}

module attributes {stable_mosaic.version = 14 : i64} {
  func.func @_vq_body(%arg0: i32, %arg1: memref<1152x64xf32, #tpu.memory_space<vmem>>, %arg2: memref<8192x64xf32, #tpu.memory_space<vmem>>, %arg3: memref<1x1x1152xi32, #tpu.memory_space<vmem>>, %arg4: memref<1x1x1xf32, #tpu.memory_space<vmem>>) attributes {dimension_semantics = [#tpu.dimension_semantics<parallel>], iteration_bounds = array<i64: 8>, scalar_prefetch = 0 : i64, scratch_operands = 0 : i64, tpu.core_type = #tpu.core_type<tc>, window_params = [{transform_indices = @transform_0, window_bounds = array<i64: 1152, 64>}, {pipeline_mode = #tpu.pipeline_mode<synchronous>, transform_indices = @transform_1, window_bounds = array<i64: 8192, 64>}, {transform_indices = @transform_2, window_bounds = array<i64: 1, 1, 1152>}, {transform_indices = @transform_3, window_bounds = array<i64: 1, 1, 1>}]} {
    %get3A = arith.constant 0 : index
    %get3A_0 = arith.constant 0 : index
    %get3A_1 = vector.load %arg1[%get3A, %get3A_0] : memref<1152x64xf32, #tpu.memory_space<vmem>>, vector<1152x64xf32>
    %mul3A = arith.mulf %get3A_1, %get3A_1 : vector<1152x64xf32>
    %reduce_sum3A = arith.constant dense<0.000000e+00> : vector<1152xf32>
    %reduce_sum3A_2 = vector.multi_reduction <add>, %mul3A, %reduce_sum3A [1] : vector<1152x64xf32> to vector<1152xf32>
    %broadcast_in_dim3A = vector.shape_cast %reduce_sum3A_2 : vector<1152xf32> to vector<1152x1xf32>
    %transpose3A = tpu.transpose %broadcast_in_dim3A, [1, 0] : vector<1152x1xf32> -> vector<1x1152xf32>
    %convert_element_type3A = arith.truncf %get3A_1 : vector<1152x64xf32> to vector<1152x64xbf16>
    %iota3A = tpu.iota {dimensions = array<i32: 0>} : vector<2048x1152xi32>
    %convert_element_type3A_3 = arith.sitofp %iota3A : vector<2048x1152xi32> to vector<2048x1152xf32>
    %get3A_4 = arith.constant 0 : index
    %get3A_5 = arith.constant 0 : index
    %get3A_6 = vector.load %arg2[%get3A_4, %get3A_5] : memref<8192x64xf32, #tpu.memory_space<vmem>>, vector<2048x64xf32>
    %mul3A_7 = arith.mulf %get3A_6, %get3A_6 : vector<2048x64xf32>
    %reduce_sum3A_8 = arith.constant dense<0.000000e+00> : vector<2048xf32>
    %reduce_sum3A_9 = vector.multi_reduction <add>, %mul3A_7, %reduce_sum3A_8 [1] : vector<2048x64xf32> to vector<2048xf32>
    %broadcast_in_dim3A_10 = vector.shape_cast %reduce_sum3A_9 : vector<2048xf32> to vector<2048x1xf32>
    %convert_element_type3A_11 = arith.truncf %get3A_6 : vector<2048x64xf32> to vector<2048x64xbf16>
    %dot_general3A = arith.constant dense<0.000000e+00> : vector<2048x1152xf32>
    %dot_general3A_12 = tpu.matmul %convert_element_type3A_11, %convert_element_type3A, %dot_general3A {dimension_numbers = #tpu.dot_dimension_numbers<[1], [1], [0], [0], [0, 0, 1, 0], [], []>, transpose_lhs_hint = false} : vector<2048x64xbf16>, vector<1152x64xbf16>, vector<2048x1152xf32> -> vector<2048x1152xf32>
    %mul3A_13 = arith.constant 2.000000e+00 : f32
    %mul3A_14 = vector.broadcast %mul3A_13 : f32 to vector<2048x1152xf32>
    %mul3A_15 = arith.mulf %mul3A_14, %dot_general3A_12 : vector<2048x1152xf32>
    %sub3A = vector.broadcast %transpose3A : vector<1x1152xf32> to vector<2048x1152xf32>
    %sub3A_16 = arith.subf %sub3A, %mul3A_15 : vector<2048x1152xf32>
    %add3A = vector.broadcast %broadcast_in_dim3A_10 : vector<2048x1xf32> to vector<2048x1152xf32>
    %add3A_17 = arith.addf %sub3A_16, %add3A : vector<2048x1152xf32>
    %reduce_min3A = arith.constant dense<0x7F800000> : vector<1152xf32>
    %reduce_min3A_18 = vector.multi_reduction <minimumf>, %add3A_17, %reduce_min3A [0] : vector<2048x1152xf32> to vector<1152xf32>
    %broadcast_in_dim3A_19 = vector.shape_cast %reduce_min3A_18 : vector<1152xf32> to vector<1x1152xf32>
    %eq3A = vector.broadcast %broadcast_in_dim3A_19 : vector<1x1152xf32> to vector<2048x1152xf32>
    %eq3A_20 = arith.cmpf oeq, %add3A_17, %eq3A : vector<2048x1152xf32>
    %jit3A = arith.constant 1.07374182E+9 : f32
    %broadcast_in_dim3A_21 = vector.broadcast %jit3A : f32 to vector<2048x1152xf32>
    %select_n3A = arith.select %eq3A_20, %convert_element_type3A_3, %broadcast_in_dim3A_21 : vector<2048x1152xi1>, vector<2048x1152xf32>
    %reduce_min3A_22 = arith.constant dense<0x7F800000> : vector<1152xf32>
    %reduce_min3A_23 = vector.multi_reduction <minimumf>, %select_n3A, %reduce_min3A_22 [0] : vector<2048x1152xf32> to vector<1152xf32>
    %broadcast_in_dim3A_24 = vector.shape_cast %reduce_min3A_23 : vector<1152xf32> to vector<1x1152xf32>
    %add3A_25 = arith.constant 0.000000e+00 : f32
    %add3A_26 = vector.broadcast %add3A_25 : f32 to vector<1x1152xf32>
    %add3A_27 = arith.addf %broadcast_in_dim3A_24, %add3A_26 : vector<1x1152xf32>
    %convert_element_type3A_28 = arith.truncf %broadcast_in_dim3A_19 : vector<1x1152xf32> to vector<1x1152xbf16>
    %get3A_29 = arith.constant 2048 : index
    %get3A_30 = arith.constant 0 : index
    %get3A_31 = vector.load %arg2[%get3A_29, %get3A_30] : memref<8192x64xf32, #tpu.memory_space<vmem>>, vector<2048x64xf32>
    %mul3A_32 = arith.mulf %get3A_31, %get3A_31 : vector<2048x64xf32>
    %reduce_sum3A_33 = arith.constant dense<0.000000e+00> : vector<2048xf32>
    %reduce_sum3A_34 = vector.multi_reduction <add>, %mul3A_32, %reduce_sum3A_33 [1] : vector<2048x64xf32> to vector<2048xf32>
    %broadcast_in_dim3A_35 = vector.shape_cast %reduce_sum3A_34 : vector<2048xf32> to vector<2048x1xf32>
    %convert_element_type3A_36 = arith.truncf %get3A_31 : vector<2048x64xf32> to vector<2048x64xbf16>
    %dot_general3A_37 = arith.constant dense<0.000000e+00> : vector<2048x1152xf32>
    %dot_general3A_38 = tpu.matmul %convert_element_type3A_36, %convert_element_type3A, %dot_general3A_37 {dimension_numbers = #tpu.dot_dimension_numbers<[1], [1], [0], [0], [0, 0, 1, 0], [], []>, transpose_lhs_hint = false} : vector<2048x64xbf16>, vector<1152x64xbf16>, vector<2048x1152xf32> -> vector<2048x1152xf32>
    %mul3A_39 = arith.constant 2.000000e+00 : f32
    %mul3A_40 = vector.broadcast %mul3A_39 : f32 to vector<2048x1152xf32>
    %mul3A_41 = arith.mulf %mul3A_40, %dot_general3A_38 : vector<2048x1152xf32>
    %sub3A_42 = vector.broadcast %transpose3A : vector<1x1152xf32> to vector<2048x1152xf32>
    %sub3A_43 = arith.subf %sub3A_42, %mul3A_41 : vector<2048x1152xf32>
    %add3A_44 = vector.broadcast %broadcast_in_dim3A_35 : vector<2048x1xf32> to vector<2048x1152xf32>
    %add3A_45 = arith.addf %sub3A_43, %add3A_44 : vector<2048x1152xf32>
    %reduce_min3A_46 = arith.constant dense<0x7F800000> : vector<1152xf32>
    %reduce_min3A_47 = vector.multi_reduction <minimumf>, %add3A_45, %reduce_min3A_46 [0] : vector<2048x1152xf32> to vector<1152xf32>
    %broadcast_in_dim3A_48 = vector.shape_cast %reduce_min3A_47 : vector<1152xf32> to vector<1x1152xf32>
    %eq3A_49 = vector.broadcast %broadcast_in_dim3A_48 : vector<1x1152xf32> to vector<2048x1152xf32>
    %eq3A_50 = arith.cmpf oeq, %add3A_45, %eq3A_49 : vector<2048x1152xf32>
    %jit3A_51 = arith.constant 1.07374182E+9 : f32
    %broadcast_in_dim3A_52 = vector.broadcast %jit3A_51 : f32 to vector<2048x1152xf32>
    %select_n3A_53 = arith.select %eq3A_50, %convert_element_type3A_3, %broadcast_in_dim3A_52 : vector<2048x1152xi1>, vector<2048x1152xf32>
    %reduce_min3A_54 = arith.constant dense<0x7F800000> : vector<1152xf32>
    %reduce_min3A_55 = vector.multi_reduction <minimumf>, %select_n3A_53, %reduce_min3A_54 [0] : vector<2048x1152xf32> to vector<1152xf32>
    %broadcast_in_dim3A_56 = vector.shape_cast %reduce_min3A_55 : vector<1152xf32> to vector<1x1152xf32>
    %add3A_57 = arith.constant 2.048000e+03 : f32
    %add3A_58 = vector.broadcast %add3A_57 : f32 to vector<1x1152xf32>
    %add3A_59 = arith.addf %broadcast_in_dim3A_56, %add3A_58 : vector<1x1152xf32>
    %convert_element_type3A_60 = arith.extf %convert_element_type3A_28 : vector<1x1152xbf16> to vector<1x1152xf32>
    %lt3A = arith.cmpf olt, %broadcast_in_dim3A_48, %convert_element_type3A_60 : vector<1x1152xf32>
    %select_n3A_61 = arith.select %lt3A, %add3A_59, %add3A_27 : vector<1x1152xi1>, vector<1x1152xf32>
    %select_n3A_62 = arith.select %lt3A, %broadcast_in_dim3A_48, %broadcast_in_dim3A_19 : vector<1x1152xi1>, vector<1x1152xf32>
    %convert_element_type3A_63 = arith.truncf %broadcast_in_dim3A_48 : vector<1x1152xf32> to vector<1x1152xbf16>
    %select_n3A_64 = arith.select %lt3A, %convert_element_type3A_63, %convert_element_type3A_28 : vector<1x1152xi1>, vector<1x1152xbf16>
    %get3A_65 = arith.constant 4096 : index
    %get3A_66 = arith.constant 0 : index
    %get3A_67 = vector.load %arg2[%get3A_65, %get3A_66] : memref<8192x64xf32, #tpu.memory_space<vmem>>, vector<2048x64xf32>
    %mul3A_68 = arith.mulf %get3A_67, %get3A_67 : vector<2048x64xf32>
    %reduce_sum3A_69 = arith.constant dense<0.000000e+00> : vector<2048xf32>
    %reduce_sum3A_70 = vector.multi_reduction <add>, %mul3A_68, %reduce_sum3A_69 [1] : vector<2048x64xf32> to vector<2048xf32>
    %broadcast_in_dim3A_71 = vector.shape_cast %reduce_sum3A_70 : vector<2048xf32> to vector<2048x1xf32>
    %convert_element_type3A_72 = arith.truncf %get3A_67 : vector<2048x64xf32> to vector<2048x64xbf16>
    %dot_general3A_73 = arith.constant dense<0.000000e+00> : vector<2048x1152xf32>
    %dot_general3A_74 = tpu.matmul %convert_element_type3A_72, %convert_element_type3A, %dot_general3A_73 {dimension_numbers = #tpu.dot_dimension_numbers<[1], [1], [0], [0], [0, 0, 1, 0], [], []>, transpose_lhs_hint = false} : vector<2048x64xbf16>, vector<1152x64xbf16>, vector<2048x1152xf32> -> vector<2048x1152xf32>
    %mul3A_75 = arith.constant 2.000000e+00 : f32
    %mul3A_76 = vector.broadcast %mul3A_75 : f32 to vector<2048x1152xf32>
    %mul3A_77 = arith.mulf %mul3A_76, %dot_general3A_74 : vector<2048x1152xf32>
    %sub3A_78 = vector.broadcast %transpose3A : vector<1x1152xf32> to vector<2048x1152xf32>
    %sub3A_79 = arith.subf %sub3A_78, %mul3A_77 : vector<2048x1152xf32>
    %add3A_80 = vector.broadcast %broadcast_in_dim3A_71 : vector<2048x1xf32> to vector<2048x1152xf32>
    %add3A_81 = arith.addf %sub3A_79, %add3A_80 : vector<2048x1152xf32>
    %reduce_min3A_82 = arith.constant dense<0x7F800000> : vector<1152xf32>
    %reduce_min3A_83 = vector.multi_reduction <minimumf>, %add3A_81, %reduce_min3A_82 [0] : vector<2048x1152xf32> to vector<1152xf32>
    %broadcast_in_dim3A_84 = vector.shape_cast %reduce_min3A_83 : vector<1152xf32> to vector<1x1152xf32>
    %eq3A_85 = vector.broadcast %broadcast_in_dim3A_84 : vector<1x1152xf32> to vector<2048x1152xf32>
    %eq3A_86 = arith.cmpf oeq, %add3A_81, %eq3A_85 : vector<2048x1152xf32>
    %jit3A_87 = arith.constant 1.07374182E+9 : f32
    %broadcast_in_dim3A_88 = vector.broadcast %jit3A_87 : f32 to vector<2048x1152xf32>
    %select_n3A_89 = arith.select %eq3A_86, %convert_element_type3A_3, %broadcast_in_dim3A_88 : vector<2048x1152xi1>, vector<2048x1152xf32>
    %reduce_min3A_90 = arith.constant dense<0x7F800000> : vector<1152xf32>
    %reduce_min3A_91 = vector.multi_reduction <minimumf>, %select_n3A_89, %reduce_min3A_90 [0] : vector<2048x1152xf32> to vector<1152xf32>
    %broadcast_in_dim3A_92 = vector.shape_cast %reduce_min3A_91 : vector<1152xf32> to vector<1x1152xf32>
    %add3A_93 = arith.constant 4.096000e+03 : f32
    %add3A_94 = vector.broadcast %add3A_93 : f32 to vector<1x1152xf32>
    %add3A_95 = arith.addf %broadcast_in_dim3A_92, %add3A_94 : vector<1x1152xf32>
    %convert_element_type3A_96 = arith.extf %select_n3A_64 : vector<1x1152xbf16> to vector<1x1152xf32>
    %lt3A_97 = arith.cmpf olt, %broadcast_in_dim3A_84, %convert_element_type3A_96 : vector<1x1152xf32>
    %select_n3A_98 = arith.select %lt3A_97, %add3A_95, %select_n3A_61 : vector<1x1152xi1>, vector<1x1152xf32>
    %select_n3A_99 = arith.select %lt3A_97, %broadcast_in_dim3A_84, %select_n3A_62 : vector<1x1152xi1>, vector<1x1152xf32>
    %convert_element_type3A_100 = arith.truncf %broadcast_in_dim3A_84 : vector<1x1152xf32> to vector<1x1152xbf16>
    %select_n3A_101 = arith.select %lt3A_97, %convert_element_type3A_100, %select_n3A_64 : vector<1x1152xi1>, vector<1x1152xbf16>
    %get3A_102 = arith.constant 6144 : index
    %get3A_103 = arith.constant 0 : index
    %get3A_104 = vector.load %arg2[%get3A_102, %get3A_103] : memref<8192x64xf32, #tpu.memory_space<vmem>>, vector<2048x64xf32>
    %mul3A_105 = arith.mulf %get3A_104, %get3A_104 : vector<2048x64xf32>
    %reduce_sum3A_106 = arith.constant dense<0.000000e+00> : vector<2048xf32>
    %reduce_sum3A_107 = vector.multi_reduction <add>, %mul3A_105, %reduce_sum3A_106 [1] : vector<2048x64xf32> to vector<2048xf32>
    %broadcast_in_dim3A_108 = vector.shape_cast %reduce_sum3A_107 : vector<2048xf32> to vector<2048x1xf32>
    %convert_element_type3A_109 = arith.truncf %get3A_104 : vector<2048x64xf32> to vector<2048x64xbf16>
    %dot_general3A_110 = arith.constant dense<0.000000e+00> : vector<2048x1152xf32>
    %dot_general3A_111 = tpu.matmul %convert_element_type3A_109, %convert_element_type3A, %dot_general3A_110 {dimension_numbers = #tpu.dot_dimension_numbers<[1], [1], [0], [0], [0, 0, 1, 0], [], []>, transpose_lhs_hint = false} : vector<2048x64xbf16>, vector<1152x64xbf16>, vector<2048x1152xf32> -> vector<2048x1152xf32>
    %mul3A_112 = arith.constant 2.000000e+00 : f32
    %mul3A_113 = vector.broadcast %mul3A_112 : f32 to vector<2048x1152xf32>
    %mul3A_114 = arith.mulf %mul3A_113, %dot_general3A_111 : vector<2048x1152xf32>
    %sub3A_115 = vector.broadcast %transpose3A : vector<1x1152xf32> to vector<2048x1152xf32>
    %sub3A_116 = arith.subf %sub3A_115, %mul3A_114 : vector<2048x1152xf32>
    %add3A_117 = vector.broadcast %broadcast_in_dim3A_108 : vector<2048x1xf32> to vector<2048x1152xf32>
    %add3A_118 = arith.addf %sub3A_116, %add3A_117 : vector<2048x1152xf32>
    %reduce_min3A_119 = arith.constant dense<0x7F800000> : vector<1152xf32>
    %reduce_min3A_120 = vector.multi_reduction <minimumf>, %add3A_118, %reduce_min3A_119 [0] : vector<2048x1152xf32> to vector<1152xf32>
    %broadcast_in_dim3A_121 = vector.shape_cast %reduce_min3A_120 : vector<1152xf32> to vector<1x1152xf32>
    %eq3A_122 = vector.broadcast %broadcast_in_dim3A_121 : vector<1x1152xf32> to vector<2048x1152xf32>
    %eq3A_123 = arith.cmpf oeq, %add3A_118, %eq3A_122 : vector<2048x1152xf32>
    %jit3A_124 = arith.constant 1.07374182E+9 : f32
    %broadcast_in_dim3A_125 = vector.broadcast %jit3A_124 : f32 to vector<2048x1152xf32>
    %select_n3A_126 = arith.select %eq3A_123, %convert_element_type3A_3, %broadcast_in_dim3A_125 : vector<2048x1152xi1>, vector<2048x1152xf32>
    %reduce_min3A_127 = arith.constant dense<0x7F800000> : vector<1152xf32>
    %reduce_min3A_128 = vector.multi_reduction <minimumf>, %select_n3A_126, %reduce_min3A_127 [0] : vector<2048x1152xf32> to vector<1152xf32>
    %broadcast_in_dim3A_129 = vector.shape_cast %reduce_min3A_128 : vector<1152xf32> to vector<1x1152xf32>
    %add3A_130 = arith.constant 6.144000e+03 : f32
    %add3A_131 = vector.broadcast %add3A_130 : f32 to vector<1x1152xf32>
    %add3A_132 = arith.addf %broadcast_in_dim3A_129, %add3A_131 : vector<1x1152xf32>
    %convert_element_type3A_133 = arith.extf %select_n3A_101 : vector<1x1152xbf16> to vector<1x1152xf32>
    %lt3A_134 = arith.cmpf olt, %broadcast_in_dim3A_121, %convert_element_type3A_133 : vector<1x1152xf32>
    %select_n3A_135 = arith.select %lt3A_134, %add3A_132, %select_n3A_98 : vector<1x1152xi1>, vector<1x1152xf32>
    %select_n3A_136 = arith.select %lt3A_134, %broadcast_in_dim3A_121, %select_n3A_99 : vector<1x1152xi1>, vector<1x1152xf32>
    %convert_element_type3A_137 = arith.fptosi %select_n3A_135 : vector<1x1152xf32> to vector<1x1152xi32>
    %swap3A = arith.constant 0 : index
    %swap3A_138 = arith.constant 0 : index
    %swap3A_139 = arith.constant 0 : index
    %swap3A_140 = vector.load %arg3[%swap3A, %swap3A_138, %swap3A_139] : memref<1x1x1152xi32, #tpu.memory_space<vmem>>, vector<1x1x1152xi32>
    %swap3A_141 = vector.shape_cast %swap3A_140 : vector<1x1x1152xi32> to vector<1x1152xi32>
    %swap3A_142 = vector.shape_cast %convert_element_type3A_137 : vector<1x1152xi32> to vector<1x1x1152xi32>
    tpu.vector_store %arg3[%swap3A, %swap3A_138, %swap3A_139], %swap3A_142 {strides = array<i32>} : memref<1x1x1152xi32, #tpu.memory_space<vmem>>, vector<1x1x1152xi32>,
    %reduce_sum3A_143 = arith.constant dense<0.000000e+00> : vector<1xf32>
    %reduce_sum3A_144 = vector.multi_reduction <add>, %select_n3A_136, %reduce_sum3A_143 [1] : vector<1x1152xf32> to vector<1xf32>
    %broadcast_in_dim3A_145 = vector.shape_cast %reduce_sum3A_144 : vector<1xf32> to vector<1x1xf32>
    %swap3A_146 = arith.constant 0 : index
    %swap3A_147 = arith.constant 0 : index
    %swap3A_148 = arith.constant 0 : index
    %swap3A_149 = vector.load %arg4[%swap3A_146, %swap3A_147, %swap3A_148] : memref<1x1x1xf32, #tpu.memory_space<vmem>>, vector<1x1x1xf32>
    %swap3A_150 = vector.shape_cast %swap3A_149 : vector<1x1x1xf32> to vector<1x1xf32>
    %swap3A_151 = vector.shape_cast %broadcast_in_dim3A_145 : vector<1x1xf32> to vector<1x1x1xf32>
    tpu.vector_store %arg4[%swap3A_146, %swap3A_147, %swap3A_148], %swap3A_151 {strides = array<i32>} : memref<1x1x1xf32, #tpu.memory_space<vmem>>, vector<1x1x1xf32>,
    return
  }
  func.func @transform_0(%arg0: i32) -> (i32, i32) {
    %c0_i32 = arith.constant 0 : i32
    %c0_i32_0 = arith.constant 0 : i32
    return %arg0, %c0_i32 : i32, i32
  }
  func.func @transform_1(%arg0: i32) -> (i32, i32) {
    %c0_i32 = arith.constant 0 : i32
    %c0_i32_0 = arith.constant 0 : i32
    %c0_i32_1 = arith.constant 0 : i32
    return %c0_i32, %c0_i32_0 : i32, i32
  }
  func.func @transform_2(%arg0: i32) -> (i32, i32, i32) {
    %c0_i32 = arith.constant 0 : i32
    %c0_i32_0 = arith.constant 0 : i32
    %c0_i32_1 = arith.constant 0 : i32
    return %arg0, %c0_i32, %c0_i32_0 : i32, i32, i32
  }
  func.func @transform_3(%arg0: i32) -> (i32, i32, i32) {
    %c0_i32 = arith.constant 0 : i32
    %c0_i32_0 = arith.constant 0 : i32
    %c0_i32_1 = arith.constant 0 : i32
    return %arg0, %c0_i32, %c0_i32_0 : i32, i32, i32
  }
}

module attributes {stable_mosaic.version = 14 : i64} {
  func.func @_fin_body(%arg0: memref<2x8192x16xf32, #tpu.memory_space<vmem>>, %arg1: memref<8x1x1xf32, #tpu.memory_space<vmem>>, %arg2: memref<1x1xf32, #tpu.memory_space<vmem>>, %arg3: memref<1x1xf32, #tpu.memory_space<vmem>>) attributes {dimension_semantics = [], scalar_prefetch = 0 : i64, scratch_operands = 0 : i64, tpu.core_type = #tpu.core_type<tc>} {
    %get3A = arith.constant 0 : index
    %get3A_0 = arith.constant 0 : index
    %get3A_1 = arith.constant 0 : index
    %get3A_2 = vector.load %arg0[%get3A, %get3A_0, %get3A_1] : memref<2x8192x16xf32, #tpu.memory_space<vmem>>, vector<1x8192x1xf32>
    %get3A_3 = vector.shape_cast %get3A_2 : vector<1x8192x1xf32> to vector<8192x1xf32>
    %get3A_4 = arith.constant 1 : index
    %get3A_5 = arith.constant 0 : index
    %get3A_6 = arith.constant 0 : index
    %get3A_7 = vector.load %arg0[%get3A_4, %get3A_5, %get3A_6] : memref<2x8192x16xf32, #tpu.memory_space<vmem>>, vector<1x8192x1xf32>
    %get3A_8 = vector.shape_cast %get3A_7 : vector<1x8192x1xf32> to vector<8192x1xf32>
    %add3A = arith.addf %get3A_3, %get3A_8 : vector<8192x1xf32>
    %div3A = arith.constant 9.216000e+03 : f32
    %div3A_9 = vector.broadcast %div3A : f32 to vector<8192x1xf32>
    %div3A_10 = arith.divf %add3A, %div3A_9 : vector<8192x1xf32>
    %add3A_11 = arith.constant 1.000000e-10 : f32
    %add3A_12 = vector.broadcast %add3A_11 : f32 to vector<8192x1xf32>
    %add3A_13 = arith.addf %div3A_10, %add3A_12 : vector<8192x1xf32>
    %log3A = math.log %add3A_13 : vector<8192x1xf32>
    %mul3A = arith.mulf %div3A_10, %log3A : vector<8192x1xf32>
    %reduce_sum3A = arith.constant dense<0.000000e+00> : vector<1xf32>
    %reduce_sum3A_14 = vector.multi_reduction <add>, %mul3A, %reduce_sum3A [0] : vector<8192x1xf32> to vector<1xf32>
    %broadcast_in_dim3A = vector.shape_cast %reduce_sum3A_14 : vector<1xf32> to vector<1x1xf32>
    %neg3A = arith.constant 0.000000e+00 : f32
    %neg3A_15 = vector.broadcast %neg3A : f32 to vector<1x1xf32>
    %neg3A_16 = arith.subf %neg3A_15, %broadcast_in_dim3A : vector<1x1xf32>
    %exp3A = math.exp %neg3A_16 : vector<1x1xf32>
    %swap3A = arith.constant 0 : index
    %swap3A_17 = arith.constant 0 : index
    %swap3A_18 = vector.load %arg3[%swap3A, %swap3A_17] : memref<1x1xf32, #tpu.memory_space<vmem>>, vector<1x1xf32>
    tpu.vector_store %arg3[%swap3A, %swap3A_17], %exp3A {strides = array<i32>} : memref<1x1xf32, #tpu.memory_space<vmem>>, vector<1x1xf32>,
    %broadcast_in_dim3A_19 = arith.constant 2.11927636E-6 : f32
    %broadcast_in_dim3A_20 = vector.broadcast %broadcast_in_dim3A_19 : f32 to vector<1x1xf32>
    %get3A_21 = arith.constant 0 : index
    %get3A_22 = arith.constant 0 : index
    %get3A_23 = arith.constant 0 : index
    %get3A_24 = vector.load %arg1[%get3A_21, %get3A_22, %get3A_23] : memref<8x1x1xf32, #tpu.memory_space<vmem>>, vector<8x1x1xf32>
    %get3A_25 = vector.shape_cast %get3A_24 : vector<8x1x1xf32> to vector<8x1xf32>
    %reduce_sum3A_26 = arith.constant dense<0.000000e+00> : vector<1xf32>
    %reduce_sum3A_27 = vector.multi_reduction <add>, %get3A_25, %reduce_sum3A_26 [0] : vector<8x1xf32> to vector<1xf32>
    %broadcast_in_dim3A_28 = vector.shape_cast %reduce_sum3A_27 : vector<1xf32> to vector<1x1xf32>
    %mul3A_29 = arith.mulf %broadcast_in_dim3A_20, %broadcast_in_dim3A_28 : vector<1x1xf32>
    %swap3A_30 = arith.constant 0 : index
    %swap3A_31 = arith.constant 0 : index
    %swap3A_32 = vector.load %arg2[%swap3A_30, %swap3A_31] : memref<1x1xf32, #tpu.memory_space<vmem>>, vector<1x1xf32>
    tpu.vector_store %arg2[%swap3A_30, %swap3A_31], %mul3A_29 {strides = array<i32>} : memref<1x1xf32, #tpu.memory_space<vmem>>, vector<1x1xf32>,
    return
  }
}

</mosaic_0001>

<sc_bundles>
// kernel: kernel.5.cloned.1.call-start
scs
__scs_entry_jumppad:
0x0: {  	(pc) =	sbr.rel $0x88, $3  }
0x1: {  	(tag) =	ssettag $0x0;
	lr =	simm.s32 $0x1  }
0x2: {  	[smem:$0x3F9F] =	sst lr;
	_ =	strace $0xD0000000  }
0x3: {  	_ = 	snop  }
0x4: {  	_ = 	snop  }
0x5: {  	_ = 	snop  }
0x6: {  	_ = 	snop  }
0x7: {  	_ = 	snop  }
__scs_overlays_trampoline_lowered:
0x8: {  	[smem:$0x3FAE] =	sst s0  }
0x9: {  	[smem:$0x3FAF] =	sst s1  }
0xa: {  	[smem:$0x3FB0] =	sst s2  }
0xb: {  	[smem:$0x3FB1] =	sst s3  }
0xc: {  	[smem:$0x3FB2] =	sst s4  }
0xd: {  	[smem:$0x3FB3] =	sst s5  }
0xe: {  	[smem:$0x3FB4] =	sst s6  }
0xf: {  	[smem:$0x3FB5] =	sst s7  }
0x10: {  	[smem:$0x3FB6] =	sst s8  }
0x11: {  	[smem:$0x3FB7] =	sst s9;
	s0 =	simm.s32 @!p0 $0x0  }
0x12: {  	s1 =	sld [smem:$0x3F9D];
	s0 =	simm.s32 @p0 $0x1  }
0x13: {  	[smem:$0x3FB8] =	sst s0;
	s0 =	simm.s32 @!p1 $0x0  }
0x14: {  	s2 =	sld [smem:$0x3F9C];
	s0 =	simm.s32 @p1 $0x1  }
0x15: {  	[smem:$0x3FB9] =	sst s0;
	s0 =	simm.s32 @!p2 $0x0  }
0x16: {  	s3 =	sld [smem:$0x3FDB];
	s0 =	simm.s32 @p2 $0x1  }
0x17: {  	s4 =	simm.s32 $0x1BF5;
	[smem:$0x3FBB] =	sst s0  }
0x18: {  	s0 =	sld [smem:$0x3F9E];
	_ =	swait.ge [sflag:s4], $0x0  }
0x19: {  	s7 =	sld [smem:$0x3F9F]  }
0x1a: {  	s8 =	sadd.s32 $0xFFFFE003, lr  }
0x1b: {  	s9 =	sadd.s32 $0xFFFFFEF7, lr;
	s5 =	simm.s32 $0xFFFFFFFF;
	p2 =	slt.u32 s8, $0xFFFFF086  }
0x1c: {  	p1 =	slt.u32 s9, $0xF7A;
	s5 =	simm.s32 @!p2 $0x0  }
0x1d: {  	s5 =	simm.s32 @p1 $0x1;
	p0 =	seq.s32 s7, s2  }
0x1e: {  	s7 =	smul.u32 @!p0 $0xF7A, s2;
	p2 =	seq.s32 @!p0 s5, $0x0  }
0x1f: {  	s9 =	smul.u32 $0xF7A, s1;
	s8 =	simm.s32 @!p0 $0x1BF5;
	p2 =	por !p2, p0  }
0x20: {  	[sflag:s8] =	ssyncset.s32 @!p0 $0xFFFFF086;
	s6 =	sadd.s32 @!p0 s3, s7;
	s7 =	simm.s32 @!p0 $0x108  }
0x21: {  	s3 =	sadd.s32 s3, s9;
	s6 =	sadd.s32 @!p0 $0x88, s6;
	s7 =	simm.s32 @p2 $0x1082  }
0x22: {  	[simem:s7], [sflag:s8] =	dma.local @!p0 [hbm:s6], $0xF7A  }
0x23: {  	s9 =	sor.u32 $0xD0000000, s2;
	s6 =	simm.s32 $0x108;
	_ =	swait.ge @!p0 [sflag:s8], $0x0  }
0x24: {  	s3 =	sadd.s32 $0x88, s3;
	s6 =	simm.s32 @!p1 $0x1082;
	[sflag:s4] =	ssyncset.s32 $0xFFFFF086  }
0x25: {  	[simem:s6], [sflag:s4] =	dma.local [hbm:s3], $0xF7A  }
0x26: {  	[smem:$0x3F9F] =	sst s1;
	(tag) =	ssettag s2;
	_ =	strace s9  }
0x27: {  	s1 =	sld [smem:$0x3FAF]  }
0x28: {  	s2 =	sld [smem:$0x3FB0]  }
0x29: {  	s4 =	sld [smem:$0x3FB2]  }
0x2a: {  	p0 =	seq.s32 s5, $0x0;
	s5 =	sld [smem:$0x3FB3]  }
0x2b: {  	s6 =	sld [smem:$0x3FB4]  }
0x2c: {  	s7 =	sld [smem:$0x3FB5]  }
0x2d: {  	s3 =	simm.s32 $0x108;
	s8 =	sld [smem:$0x3FB6]  }
0x2e: {  	s3 =	simm.s32 @!p0 $0x1082;
	s9 =	sld [smem:$0x3FB7]  }
0x2f: {  	lr =	sadd.s32 s0, s3;
	s0 =	sld [smem:$0x3FAE]  }
0x30: {  	s3 =	sld [smem:$0x3FB1]  }
0x31: {  	[smem:$0x3FBA] =	sst s10  }
0x32: {  	s10 =	sld [smem:$0x3FB8];
	_ =	sdelay $0x3  }
0x33: {  	p0 =	seq.s32 s10, $0x1;
	s10 =	sld [smem:$0x3FBA];
	_ =	sdelay $0x3  }
0x34: {  	[smem:$0x3FBA] =	sst s10  }
0x35: {  	s10 =	sld [smem:$0x3FB9];
	_ =	sdelay $0x3  }
0x36: {  	p1 =	seq.s32 s10, $0x1;
	s10 =	sld [smem:$0x3FBA];
	_ =	sdelay $0x3  }
0x37: {  	[smem:$0x3FBA] =	sst s10  }
0x38: {  	s10 =	sld [smem:$0x3FBB]  }
0x39: {  	_ = 	snop;
	(pc) =	sbr.ind lr, $3  }
0x3a: {  	_ = 	snop  }
0x3b: {  	_ = 	snop  }
0x3c: {  	p2 =	seq.s32 s10, $0x1;
	s10 =	sld [smem:$0x3FBA]  }
0x3d: {  	_ =	shalt  }
0x3e: {  	_ =	shalt  }
0x3f: {  	_ =	shalt  }
0x40: {  	_ =	shalt  }
0x41: {  	_ =	shalt  }
0x42: {  	_ =	shalt  }
0x43: {  	_ =	shalt  }
0x44: {  	_ =	shalt  }
0x45: {  	_ =	shalt  }
0x46: {  	_ =	shalt  }
0x47: {  	_ =	shalt  }
0x48: {  	_ =	shalt  }
0x49: {  	_ =	shalt  }
0x4a: {  	_ =	shalt  }
0x4b: {  	_ =	shalt  }
0x4c: {  	_ =	shalt  }
0x4d: {  	_ =	shalt  }
0x4e: {  	_ =	shalt  }
0x4f: {  	_ =	shalt  }
0x50: {  	_ =	shalt  }
0x51: {  	_ =	shalt  }
0x52: {  	_ =	shalt  }
0x53: {  	_ =	shalt  }
0x54: {  	_ =	shalt  }
0x55: {  	_ =	shalt  }
0x56: {  	_ =	shalt  }
0x57: {  	_ =	shalt  }
0x58: {  	_ =	shalt  }
0x59: {  	_ =	shalt  }
0x5a: {  	_ =	shalt  }
0x5b: {  	_ =	shalt  }
0x5c: {  	_ =	shalt  }
0x5d: {  	_ =	shalt  }
0x5e: {  	_ =	shalt  }
0x5f: {  	_ =	shalt  }
0x60: {  	_ =	shalt  }
0x61: {  	_ =	shalt  }
0x62: {  	_ =	shalt  }
0x63: {  	_ =	shalt  }
0x64: {  	_ =	shalt  }
0x65: {  	_ =	shalt  }
0x66: {  	_ =	shalt  }
0x67: {  	_ =	shalt  }
0x68: {  	_ =	shalt  }
0x69: {  	_ =	shalt  }
0x6a: {  	_ =	shalt  }
0x6b: {  	_ =	shalt  }
0x6c: {  	_ =	shalt  }
0x6d: {  	_ =	shalt  }
0x6e: {  	_ =	shalt  }
0x6f: {  	_ =	shalt  }
0x70: {  	_ =	shalt  }
0x71: {  	_ =	shalt  }
0x72: {  	_ =	shalt  }
0x73: {  	_ =	shalt  }
0x74: {  	_ =	shalt  }
0x75: {  	_ =	shalt  }
0x76: {  	_ =	shalt  }
0x77: {  	_ =	shalt  }
0x78: {  	_ =	shalt  }
0x79: {  	_ =	shalt  }
0x7a: {  	_ =	shalt  }
0x7b: {  	_ =	shalt  }
0x7c: {  	_ =	shalt  }
0x7d: {  	_ =	shalt  }
0x7e: {  	_ =	shalt  }
0x7f: {  	_ =	shalt  }
0x80: {  	_ =	shalt  }
0x81: {  	_ =	shalt  }
0x82: {  	_ =	shalt  }
0x83: {  	_ =	shalt  }
0x84: {  	_ =	shalt  }
0x85: {  	_ =	shalt  }
0x86: {  	_ =	shalt  }
0x87: {  	_ =	shalt  }
.Lfunc_end0:
.L_simem_size_0:
called_computation_lowered:
.L_overlay_start_0:
0x88: {  	s2 =	sld [smem:$0x3FD9]  }
0x89: {  	s3 =	sld [smem:$0x3FFE];
	_ =	sdelay $0x1  }
0x8a: {  	s1 =	srdreg.scid  }
0x8b: {  	s0 =	sand.u32 $0x1, s1  }
0x8c: {  	s14 =	sshll.u32 s0, $0xA;
	s2 =	sadd.s32 s3, s2  }
0x8d: {  	s2 =	sadd.s32 s2, s14  }
0x8e: {  	[smem:$0x3FC6] =	sst s2  }
0x8f: {  	_ = 	snop  }
0x90: {  	s2 =	sld [smem:$0x3FD0];
	_ =	sdelay $0x2  }
0x91: {  	s15 =	simm.s32 $0xA;
	s4 =	simm.s32 $0x10  }
0x92: {  	[smem:s4], [sflag:s15] =	dma.local [hbm:s2], $0x1  }
0x93: {  	_ =	swait.eq [sflag:s15], $0x1  }
0x94: {  	[sflag:s15] =	ssyncset.done $0x0  }
0x95: {  	[sflag:s15] =	ssyncadd.s32 $0xFFFFFFFF  }
0x96: {  	s16 =	sld [smem:$0x10];
	(tm) =	ssettm $0x1  }
0x97: {  	s17 =	sld [smem:$0x3FFB];
	_ =	sdelay $0x3  }
0x98: {  	_ =	strace s17  }
0x99: {  	s3 =	sld [smem:$0x3FFC];
	_ =	sdelay $0x3  }
0x9a: {  	_ =	strace s3  }
0x9b: {  	s3 =	sld [smem:$0x3FFD];
	_ =	sdelay $0x3  }
0x9c: {  	_ =	strace s3  }
0x9d: {  	_ =	strace $0x8FFFFFFF  }
0x9e: {  	s18 =	sld [smem:$0x3FDB];
	_ =	sdelay $0x1  }
0x9f: {  	s19 =	simm.s32 $_scs_section_size  }
0xa0: {  	s5 =	simm.s32 $_size__tile_overlayer_lowered;
	s6 =	simm.s32 $_tile_overlayer_lowered  }
0xa1: {  	s22 =	simm.s32 $0x1BFF;
	s21 =	sshll.u32 s6, $0x1;
	s3 =	sadd.s32 s19, s18  }
0xa2: {  	s7 =	simm.s32 $0x0;
	s20 =	sshll.u32 s5, $0x1;
	s5 =	sadd.s32 s21, s3  }
0xa3: {  	[timem:s7], [sflag:s22] =	dma.local [hbm:s5], s20  }
0xa4: {  	_ =	swait.ge [sflag:s22], s20  }
0xa5: {  	s4 =	ssub.s32 $0x0, s20;
	[sflag:s22] =	ssyncset.done $0x0  }
0xa6: {  	[sflag:s22] =	ssyncadd.s32 s4;
	_ =	sdelay $0x1  }
0xa7: {  	s23 =	simm.s32 $0x1B8B  }
0xa8: {  	_ =	swait.ge [sflag:s23], $0x1  }
0xa9: {  	[sflag:s23] =	ssyncset.done $0x0  }
0xaa: {  	s25 =	simm.s32 $0x1B8E;
	s24 =	sld [smem:$0x3FFE];
	[sflag:s23] =	ssyncadd.s32 $0xFFFFFFFF  }
0xab: {  	s26 =	simm.s32 $execute0_lowered;
	[smem:$0x3FD2] =	sst s25  }
0xac: {  	s5 =	sshll.u32 s26, $0x1;
	_ =	strace $0x80000046;
	[dreg:$0x1] =	wrdreg $0xFFFFFFFF  }
0xad: {  	s28 =	simm.s32 $_size_execute0_lowered;
	s3 =	sadd.s32 s3, s5;
	[dreg:$0x0] =	wrdreg $0x0  }
0xae: {  	s5 =	sshll.u32 s28, $0x1;
	[dreg:$0x2] =	wrdreg s3  }
0xaf: {  	[dreg:$0x3] =	wrdreg s5  }
0xb0: {  	[dreg:$0x4] =	wrdreg $0xC0  }
0xb1: {  	_ =	task [dreg:s7], $0x5FFFF  }
0xb2: {  	[dreg:$0x1] =	wrdreg $0xFFFFFFFF  }
0xb3: {  	[dreg:$0x0] =	wrdreg $0x60  }
0xb4: {  	[dreg:$0x2] =	wrdreg s24  }
0xb5: {  	[dreg:$0x3] =	wrdreg s16  }
0xb6: {  	[dreg:$0x4] =	wrdreg $0x4F200  }
0xb7: {  	[dreg:$0x5] =	wrdreg $0x9  }
0xb8: {  	_ =	task.clear_ibuf [dreg:s7], $0x6FFFF;
	_ =	strace $0x90000046  }
0xb9: {  	s29 =	simm.s32 $0x9;
	_ =	strace $0x80000048  }
0xba: {  	_ =	swait.ge [sflag:s29], $0x1  }
0xbb: {  	[sflag:s29] =	ssyncadd.s32 $0xFFFFFFFF  }
0xbc: {  	_ =	strace $0x90000048  }
0xbd: {  	_ =	sfence  }
0xbe: {  	s30 =	sld [smem:$0x0];
	_ =	sdelay $0x2  }
0xbf: {  	s31 =	sshll.u32 s1, $0xD;
	s1 =	sshrl.u32 s1, $0x2  }
0xc0: {  	s3 =	sand.u32 $0x4000, s31;
	s1 =	sadd.s32 s1, s30  }
0xc1: {  	s0 =	sor.u32 s3, s0;
	s1 =	sshll.u32 s1, $0x11  }
0xc2: {  	s0 =	sor.u32 s1, s0  }
0xc3: {  	s0 =	sadd.s32 $0x8F2B, s0  }
0xc4: {  	[sflag:s0] =	ssyncadd.remote.s32 $0x1  }
0xc5: {  	_ =	sfence.sel $0xFFFF  }
0xc6: {  	[dreg:$0x0] =	wrdreg $0xFFFFFFFF;
	(pc) =	sbr.abs _section_cstart, $3  }
0xc7: {  	[dreg:$0x1] =	wrdreg $0xFFFFFFFF  }
0xc8: {  	_ =	task.clear_ibuf [dreg:s7], $0x2FFFF;
	_ =	strace $0x9FFFFFFF  }
0xc9: {  	(tm) =	ssettm $0x7FFFFFFF  }
tec
execute0_lowered:
.L_overlay_start_1:
0x0: {  	(tag) =	ssettag $0x1  }
0x1: {  	s1 =	srdreg.scid;
	s0 =	stileid.u32  }
0x2: {  	s19 =	rddreg [dreg:$0x0];
	s20 =	sand.u32 $0x1, s1;
	s29 =	sshll.u32 s0, $0x1  }
0x3: {  	s18 =	rddreg [dreg:$0x1];
	s21 =	sor.u32 s20, s29  }
0x4: {  	s2 =	rddreg [dreg:$0x2];
	s4 =	smul.u32 $0x24, s21  }
0x5: {  	s3 =	simm.s32 $0x0;
	s1 =	rddreg [dreg:$0x3]  }
0x6: {  	[smem:$0x7FF] =	sst s3;
	s4 =	sadd.s32 s4, s19  }
0x7: {  	_ =	strace $0x80000047;
	s5 =	sadd.s32 $0x11000, s4;
	s4 =	simm.s32 $0x2  }
0x8: {  	[tilespmem:s3], [sflag:$0x2] =	stream.linear.gather [hbm4b:s5+s3], $0x120, $0x38;
	[tilespmem:$0x6F20] =	vst v63  }
0x9: {  	_ =	swait.ge [sflag:s4], $0x120  }
0xa: {  	s7 =	simm.s32 $0x4920;
	s8 =	sshll.u32 s0, $0xA;
	[sflag:s4] =	ssyncset.done $0x0  }
0xb: {  	s6 =	sadd.s32 $0x15600, s19;
	s22 =	sshll.u32 s0, $0xD;
	[sflag:s4] =	ssyncadd.s32 $0xFFFFFEE0  }
0xc: {  	[tilespmem:s7], [sflag:$0x2] =	stream.linear.gather [hbm4b:s6+s3], $0x600, $0x38;
	[tilespmem:$0x6F20] =	vst v63  }
0xd: {  	s9 =	sshll.u32 s0, $0x6;
	s8 =	sadd.s32 s8, s19;
	_ =	swait.ge [sflag:s4], $0x600  }
0xe: {  	s10 =	sadd.s32 s22, s2;
	s9 =	sor.u32 $0x1C02, s9;
	[sflag:s4] =	ssyncset.done $0x0  }
0xf: {  	s8 =	sadd.s32 $0x11600, s8;
	s10 =	sshrl.u32 s10, $0x3;
	[sflag:s4] =	ssyncadd.s32 $0xFFFFFA00  }
0x10: {  	[spmem:s10], [sflag:s9] =	dma.local [hbm:s8], $0x400  }
0x11: {  	_ =	swait.ge [sflag:s4], $0x400  }
0x12: {  	s12 =	simm.s32 $0x60;
	[sflag:s4] =	ssyncset.done $0x0  }
0x13: {  	s13 =	simm.s32 $0x120;
	s11 =	sadd.s32 $0x1000, s19;
	[sflag:s4] =	ssyncadd.s32 $0xFFFFFC00  }
0x14: {  	[tilespmem:s13], [sflag:$0x1] =	stream.indirect.gather [hbm4b:s11+s12], $0x40, s3, s12, $0xb8;
	[tilespmem:$0x6F20] =	vst v63  }
0x15: {  	s14 =	simm.s32 $0x1920  }
0x16: {  	[tilespmem:s14], [sflag:$0x1] =	stream.indirect.gather [hbm4b:s11+s12], $0x40, s12, s12, $0xb8;
	[tilespmem:$0x6F20] =	vst v63  }
0x17: {  	s15 =	simm.s32 $0xC0;
	s16 =	simm.s32 $0x3120;
	s17 =	simm.s32 $0x1  }
0x18: {  	[tilespmem:s16], [sflag:$0x1] =	stream.indirect.gather [hbm4b:s11+s12], $0x40, s15, s12, $0xb8;
	[tilespmem:$0x6F20] =	vst v63  }
0x19: {  	_ =	swait.ge [sflag:s17], $0x1800  }
0x1a: {  	[sflag:s17] =	ssyncset.done $0x0  }
0x1b: {  	[sflag:s17] =	ssyncadd.s32 $0xFFFFE800  }
0x1c: {  	_ =	swait.ge [sflag:s17], $0x1800  }
0x1d: {  	[sflag:s17] =	ssyncset.done $0x0  }
0x1e: {  	[sflag:s17] =	ssyncadd.s32 $0xFFFFE800  }
0x1f: {  	s21 =	smul.u32 $0x900, s21;
	_ =	swait.ge [sflag:s17], $0x1800  }
0x20: {  	[sflag:s17] =	ssyncset.done $0x0  }
0x21: {  	s18 =	sadd.s32 s18, s21;
	[sflag:s17] =	ssyncadd.s32 $0xFFFFE800  }
0x22: {  	[hbm4b:s18+s3] =	stream.linear.scatter [tilespmem:s13], [sflag:$0x2], $0x4800, $0x38;
	[tilespmem:$0x6F20] =	vst v63  }
0x23: {  	_ =	swait.ge [sflag:s4], $0x4800  }
0x24: {  	[sflag:s4] =	ssyncset.done $0x0  }
0x25: {  	[sflag:s4] =	ssyncadd.s32 $0xFFFFB800  }
0x26: {  	[bflag:$0x0] =	sbarrier.arrive $0xFFFF  }
0x27: {  	[spmem:s2] =	stream.indirect.scatter.add.f32 [tilespmem:s7], [sflag:$0x2], $0x10, s3, s12, $0xb8;
	[tilespmem:$0x6F20] =	vst v63  }
0x28: {  	_ =	swait.ge [sflag:s4], $0x600  }
0x29: {  	[sflag:s4] =	ssyncset.done $0x0  }
0x2a: {  	[sflag:s4] =	ssyncadd.s32 $0xFFFFFA00  }
0x2b: {  	[spmem:s2] =	stream.indirect.scatter.add.f32 [tilespmem:s7], [sflag:$0x2], $0x10, s12, s12, $0xb8;
	[tilespmem:$0x6F20] =	vst v63  }
0x2c: {  	s30 =	sshll.u32 s20, $0x11;
	s20 =	ssub.s32 $0x2, s20;
	_ =	swait.ge [sflag:s4], $0x600  }
0x2d: {  	s31 =	sshrl.u32 s20, $0x1;
	[sflag:s4] =	ssyncset.done $0x0  }
0x2e: {  	s20 =	ssub.s32 s20, s31;
	[sflag:s4] =	ssyncadd.s32 $0xFFFFFA00  }
0x2f: {  	[spmem:s2] =	stream.indirect.scatter.add.f32 [tilespmem:s7], [sflag:$0x2], $0x10, s15, s12, $0xb8;
	[tilespmem:$0x6F20] =	vst v63  }
0x30: {  	s21 =	sor.u32 s22, s30;
	s20 =	smax.u32 s20, $0x1;
	_ =	swait.ge [sflag:s4], $0x600  }
0x31: {  	s21 =	sshrl.u32 s21, $0x3;
	p0 =	sne.s32 s20, $0x1;
	[sflag:s4] =	ssyncset.done $0x0  }
.Ltmp0:
0x32: {  	s19 =	sadd.s32 s21, s19;
	[sflag:s4] =	ssyncadd.s32 $0xFFFFFA00;
	(pc) =	sbr.rel @!p0 .LBB2_2-.Ltmp0, $4  }
0x33: {  	s19 =	sadd.s32 $0x15800, s19;
	[bflag:$0x0] =	sbarrier.arrive $0xFFFF  }
0x34: {  	[hbm:s19], [sflag:s9] =	dma.local [spmem:s10], $0x400  }
0x35: {  	_ =	swait.ge [sflag:s4], $0x400  }
0x36: {  	s20 =	sadd.s32 $0xFFFFFFFF, s20;
	[sflag:s4] =	ssyncset.done $0x0  }
.LBB2_1:
0x37: {  	p0 =	sne.s32 s20, $0x1;
	s20 =	sadd.s32 $0xFFFFFFFF, s20;
	[sflag:s4] =	ssyncadd.s32 $0xFFFFFC00  }
0x38: {  	[tilespmem:s3], [sflag:$0x2] =	stream.linear.gather [hbm4b:s5+s3], $0x120, $0x38;
	[tilespmem:$0x6F20] =	vst v63  }
0x39: {  	_ =	swait.ge [sflag:s4], $0x120  }
0x3a: {  	[sflag:s4] =	ssyncset.done $0x0  }
0x3b: {  	[sflag:s4] =	ssyncadd.s32 $0xFFFFFEE0  }
0x3c: {  	[tilespmem:s7], [sflag:$0x2] =	stream.linear.gather [hbm4b:s6+s3], $0x600, $0x38;
	[tilespmem:$0x6F20] =	vst v63  }
0x3d: {  	_ =	swait.ge [sflag:s4], $0x600  }
0x3e: {  	[sflag:s4] =	ssyncset.done $0x0  }
0x3f: {  	[sflag:s4] =	ssyncadd.s32 $0xFFFFFA00  }
0x40: {  	[spmem:s10], [sflag:s9] =	dma.local [hbm:s8], $0x400  }
0x41: {  	_ =	swait.ge [sflag:s4], $0x400  }
0x42: {  	[sflag:s4] =	ssyncset.done $0x0  }
0x43: {  	[sflag:s4] =	ssyncadd.s32 $0xFFFFFC00  }
0x44: {  	[tilespmem:s13], [sflag:$0x1] =	stream.indirect.gather [hbm4b:s11+s12], $0x40, s3, s12, $0xb8;
	[tilespmem:$0x6F20] =	vst v63  }
0x45: {  	_ = 	snop  }
0x46: {  	[tilespmem:s14], [sflag:$0x1] =	stream.indirect.gather [hbm4b:s11+s12], $0x40, s12, s12, $0xb8;
	[tilespmem:$0x6F20] =	vst v63  }
0x47: {  	_ = 	snop  }
0x48: {  	[tilespmem:s16], [sflag:$0x1] =	stream.indirect.gather [hbm4b:s11+s12], $0x40, s15, s12, $0xb8;
	[tilespmem:$0x6F20] =	vst v63  }
0x49: {  	_ =	swait.ge [sflag:s17], $0x1800  }
0x4a: {  	[sflag:s17] =	ssyncset.done $0x0  }
0x4b: {  	[sflag:s17] =	ssyncadd.s32 $0xFFFFE800  }
0x4c: {  	_ =	swait.ge [sflag:s17], $0x1800  }
0x4d: {  	[sflag:s17] =	ssyncset.done $0x0  }
0x4e: {  	[sflag:s17] =	ssyncadd.s32 $0xFFFFE800  }
0x4f: {  	_ =	swait.ge [sflag:s17], $0x1800  }
0x50: {  	[sflag:s17] =	ssyncset.done $0x0  }
0x51: {  	[sflag:s17] =	ssyncadd.s32 $0xFFFFE800  }
0x52: {  	[hbm4b:s18+s3] =	stream.linear.scatter [tilespmem:s13], [sflag:$0x2], $0x4800, $0x38;
	[tilespmem:$0x6F20] =	vst v63  }
0x53: {  	_ =	swait.ge [sflag:s4], $0x4800  }
0x54: {  	[sflag:s4] =	ssyncset.done $0x0  }
0x55: {  	[sflag:s4] =	ssyncadd.s32 $0xFFFFB800  }
0x56: {  	[bflag:$0x0] =	sbarrier.arrive $0xFFFF  }
0x57: {  	[spmem:s2] =	stream.indirect.scatter.add.f32 [tilespmem:s7], [sflag:$0x2], $0x10, s3, s12, $0xb8;
	[tilespmem:$0x6F20] =	vst v63  }
0x58: {  	_ =	swait.ge [sflag:s4], $0x600  }
0x59: {  	[sflag:s4] =	ssyncset.done $0x0  }
0x5a: {  	[sflag:s4] =	ssyncadd.s32 $0xFFFFFA00  }
0x5b: {  	[spmem:s2] =	stream.indirect.scatter.add.f32 [tilespmem:s7], [sflag:$0x2], $0x10, s12, s12, $0xb8;
	[tilespmem:$0x6F20] =	vst v63  }
0x5c: {  	_ =	swait.ge [sflag:s4], $0x600  }
0x5d: {  	[sflag:s4] =	ssyncset.done $0x0  }
0x5e: {  	[sflag:s4] =	ssyncadd.s32 $0xFFFFFA00  }
0x5f: {  	[spmem:s2] =	stream.indirect.scatter.add.f32 [tilespmem:s7], [sflag:$0x2], $0x10, s15, s12, $0xb8;
	[tilespmem:$0x6F20] =	vst v63  }
0x60: {  	_ =	swait.ge [sflag:s4], $0x600  }
0x61: {  	[sflag:s4] =	ssyncset.done $0x0  }
.Ltmp1:
0x62: {  	[sflag:s4] =	ssyncadd.s32 $0xFFFFFA00;
	(pc) =	sbr.rel @p0 .LBB2_1-.Ltmp1, $4  }
0x63: {  	[bflag:$0x0] =	sbarrier.arrive $0xFFFF  }
0x64: {  	[hbm:s19], [sflag:s9] =	dma.local [spmem:s10], $0x400  }
0x65: {  	_ =	swait.ge [sflag:s4], $0x400  }
0x66: {  	[sflag:s4] =	ssyncset.done $0x0  }
.LBB2_2:
0x67: {  	[sflag:s4] =	ssyncadd.s32 $0xFFFFFC00  }
0x68: {  	_ =	sfence.sel $0x180000  }
0x69: {  	[bflag:$0x0] =	sbarrier.arrive $0xFFFF  }
0x6a: {  	p0 =	sne.s32 s0, $0x0;
	_ =	strace $0x90000047  }
0x6b: {  	s0 =	sadd.s32 @!p0 $0x100000, s1;
	[bflag:$0x2] =	sbarrier.arrive $0xFFFF  }
0x6c: {  	[sflag:s0] =	ssyncadd.tile.s32 @!p0 $0x1;
	_ =	shalt  }
.Lfunc_end2:
_tile_overlayer_lowered:
.L_overlay_start_2:
0x6d: {  	(tag) =	ssettag $0x2  }
0x6e: {  	s0 =	rddreg [dreg:$0x0];
	s2 =	stileid.u32  }
0x6f: {  	s1 =	rddreg [dreg:$0x1];
	p0 =	sne.s32 s2, $0x0  }
0x70: {  	s3 =	rddreg [dreg:$0x2];
	[bflag:$0x3] =	sbarrier.arrive $0xFFFF;
	s2 =	simm.s32 @!p0 $0x1C02  }
0x71: {  	[timem:s3], [sflag:s2] =	dma.local @!p0 [hbm:s0], s1  }
0x72: {  	s0 =	simm.s32 @!p0 $0x2  }
0x73: {  	_ =	swait.ge @!p0 [sflag:s0], s1  }
0x74: {  	s1 =	ssub.s32 @!p0 $0x0, s1;
	[sflag:s0] =	ssyncset.done @!p0 $0x0  }
0x75: {  	[sflag:s0] =	ssyncadd.s32 @!p0 s1  }
0x76: {  	[bflag:$0x3] =	sbarrier.arrive $0xFFFF  }
0x77: {  	_ =	shalt  }

</sc_bundles>
